<compile_context>
chip_gen: v7x
topology: tpu7x:2x2x1
jax: 0.10.2.dev20260603
libtpu: 0.0.44.dev20260713+nightly
codegen_flags: <defaults>
</compile_context>

<pallas_src>
import functools

import jax
import jax.numpy as jnp
from jax import lax
from jax.experimental import pallas as pl
from jax.experimental.pallas import tpu as pltpu
from jax.experimental.pallas import tpu_sc as plsc

B = 16384
NC, NS, L = 2, 16, 16
NW = NC * NS
RPW = B // NW
IB = RPW // 128

_mesh = plsc.VectorSubcoreMesh(
    core_axis_name="c", subcore_axis_name="s", num_cores=NC, num_subcores=NS
)


@functools.partial(
    pl.kernel,
    out_type=(
        jax.ShapeDtypeStruct((16, B), jnp.float32),
        jax.ShapeDtypeStruct((8, B), jnp.float32),
        jax.ShapeDtypeStruct((8, B), jnp.float32),
    ),
    mesh=_mesh,
    compiler_params=pltpu.CompilerParams(
        use_tc_tiling_on_sc=False,
        needs_layout_passes=False,
        disable_bounds_checks=True,
        disable_semaphore_checks=True,
        skip_device_barrier=True,
    ),
    scratch_types=[
        pltpu.VMEM((IB, 128), jnp.int32),
        pltpu.VMEM((IB, 128), jnp.int32),
        pltpu.VMEM((IB, 128), jnp.int32),
        pltpu.VMEM((32, 128), jnp.float32),
        pltpu.VMEM((16, RPW), jnp.float32),
        pltpu.VMEM((8, RPW), jnp.float32),
        pltpu.VMEM((8, RPW), jnp.float32),
        pltpu.SemaphoreType.DMA,
        pltpu.SemaphoreType.DMA,
    ],
)
def _sc_embed(idx_hbm, wt_hbm,
              out_charT, out_roleT, out_buffT,
              idxc_v, idxr_v, idxb_v, wt_v, charT_v, roleT_v, buffT_v,
              sem_in, sem_out):
    wid = lax.axis_index("s") * NC + lax.axis_index("c")
    base = wid * RPW

    cps = [
        pltpu.async_copy(idx_hbm.at[0, pl.ds(wid * IB, IB)], idxc_v, sem_in),
        pltpu.async_copy(idx_hbm.at[1, pl.ds(wid * IB, IB)], idxr_v, sem_in),
        pltpu.async_copy(idx_hbm.at[2, pl.ds(wid * IB, IB)], idxb_v, sem_in),
        pltpu.async_copy(wt_hbm, wt_v, sem_in),
    ]
    for cp in cps:
        cp.wait()

    @plsc.parallel_loop(0, IB)
    def _row_block(j):
        @plsc.parallel_loop(0, 8)
        def _group(k):
            sl = pl.ds(k * L, L)
            ic = idxc_v[j, sl]
            ir = idxr_v[j, sl]
            ib = idxb_v[j, sl]
            out_sl = pl.ds(j * 128 + k * L, L)
            for c in range(16):
                cc = jnp.full((L,), c, jnp.int32)
                charT_v[c, out_sl] = plsc.load_gather(wt_v, [cc, ic])
            for c in range(8):
                cc = jnp.full((L,), 16 + c, jnp.int32)
                roleT_v[c, out_sl] = plsc.load_gather(wt_v, [cc, ir])
            for c in range(6):
                cc = jnp.full((L,), 24 + c, jnp.int32)
                buffT_v[c, out_sl] = plsc.load_gather(wt_v, [cc, ib])

    outs = [
        pltpu.async_copy(charT_v, out_charT.at[:, pl.ds(base, RPW)], sem_out),
        pltpu.async_copy(roleT_v, out_roleT.at[:, pl.ds(base, RPW)], sem_out),
        pltpu.async_copy(buffT_v, out_buffT.at[:, pl.ds(base, RPW)], sem_out),
    ]
    for cp in outs:
        cp.wait()


def kernel(x, W_char, W_role, W_buff):
    idx3 = x[:, 0:3].astype(jnp.int32).T.reshape(3, B // 128, 128)
    wt = jnp.concatenate([
        jnp.pad(W_char.T, ((0, 0), (0, 28))),
        jnp.pad(W_role.T, ((0, 0), (0, 120))),
        jnp.pad(W_buff.T, ((0, 2), (0, 78))),
    ], axis=0)
    charT, roleT, buffT = _sc_embed(idx3, wt)
    my_char = charT.T
    my_role = roleT.T
    my_buff = buffT[0:6, :].T
    my_states = x[:, 3:76]
    return (my_char, my_role, my_buff, my_states)

# --- scband reference (transcript-rebuilt; emitter-appended) ---
"""Pipeline reference for scband-agent-embedding-net-24309514895635 (READ-ONLY COPY).

The authoritative reference and input builder live on the scoring server;
editing this copy changes nothing except your own understanding.
"""

import jax, jax.numpy as jnp
import numpy as np

B = 16384

def setup_inputs(seed: int = 0) -> dict:
    key = jax.random.key(seed)
    k1, k2, k3, k4 = jax.random.split(key, 4)
    # x: float32[B, 76]; cols 0..2 are integer-valued index columns, cols 3: are state features
    x = jax.random.randint(k1, (B, 76), 0, 8).astype(jnp.float32)
    # learned embedding tables sized per the torch module
    W_char = jax.random.normal(k2, (100, 16), dtype=jnp.float32)
    W_role = jax.random.normal(k3, (8, 8), dtype=jnp.float32)
    W_buff = jax.random.normal(k4, (50, 6), dtype=jnp.float32)
    return {"x": x, "W_char": W_char, "W_role": W_role, "W_buff": W_buff}

def reference(x, W_char, W_role, W_buff):
    char_idx = x[:, 0].astype(jnp.int32)
    role_idx = x[:, 1].astype(jnp.int32)
    buff_idx = x[:, 2].astype(jnp.int32)
    my_character_type = jnp.take(W_char, char_idx, axis=0)
    my_role_type = jnp.take(W_role, role_idx, axis=0)
    my_buff_type = jnp.take(W_buff, buff_idx, axis=0)
    my_states = x[:, 3:].astype(jnp.float32)
    return (my_character_type, my_role_type, my_buff_type, my_states)

if __name__ == "__main__":
    import jax
    _d = setup_inputs()
    print(jax.jit(kernel)(*tuple(_d.values())))

</pallas_src>

<mosaic_0001>
#map = affine_map<(d0, d1) -> (0, 0, 0)>
#map1 = affine_map<(d0, d1) -> (0, 0)>
module attributes {stable_mosaic.version = 14 : i64} {
  func.func @_sc_embed(%arg0: i32, %arg1: i32, %arg2: memref<3x128x128xi32, #tpu.memory_space<hbm>>, %arg3: memref<32x128xf32, #tpu.memory_space<hbm>>, %arg4: memref<16x16384xf32, #tpu.memory_space<hbm>>, %arg5: memref<8x16384xf32, #tpu.memory_space<hbm>>, %arg6: memref<8x16384xf32, #tpu.memory_space<hbm>>, %arg7: memref<4x128xi32, #tpu.memory_space<vmem>>, %arg8: memref<4x128xi32, #tpu.memory_space<vmem>>, %arg9: memref<4x128xi32, #tpu.memory_space<vmem>>, %arg10: memref<32x128xf32, #tpu.memory_space<vmem>>, %arg11: memref<16x512xf32, #tpu.memory_space<vmem>>, %arg12: memref<8x512xf32, #tpu.memory_space<vmem>>, %arg13: memref<8x512xf32, #tpu.memory_space<vmem>>, %arg14: memref<!tpu.dma_semaphore, #tpu.memory_space<semaphore_mem>>, %arg15: memref<!tpu.dma_semaphore, #tpu.memory_space<semaphore_mem>>) attributes {dimension_semantics = [#tpu.dimension_semantics<core_parallel>, #tpu.dimension_semantics<subcore_parallel>], iteration_bounds = array<i64: 2, 16>, scalar_prefetch = 0 : i64, scratch_operands = 9 : i64, tpu.core_type = #tpu.core_type<sc_vector_subcore>, window_params = [{transform_indices = #map}, {transform_indices = #map1}, {transform_indices = #map1}, {transform_indices = #map1}, {transform_indices = #map1}]} {
    %mul3A = arith.constant 2 : i32
    %mul3A_0 = arith.muli %arg1, %mul3A : i32
    %add3A = arith.addi %mul3A_0, %arg0 : i32
    %mul3A_1 = arith.constant 512 : i32
    %mul3A_2 = arith.muli %add3A, %mul3A_1 : i32
    %mul3A_3 = arith.constant 4 : i32
    %mul3A_4 = arith.muli %add3A, %mul3A_3 : i32
    %dma_start3A = arith.constant 0 : i32
    %dma_start3A_5 = arith.constant 0 : i32
    %dma_start3A_6 = tpu.memref_slice %arg2[%dma_start3A, %mul3A_4, %dma_start3A_5] : memref<3x128x128xi32, #tpu.memory_space<hbm>> -> memref<1x4x128xi32, #tpu.memory_space<hbm>>
    %dma_start3A_7 = tpu.memref_squeeze %dma_start3A_6 : memref<1x4x128xi32, #tpu.memory_space<hbm>> -> memref<4x128xi32, #tpu.memory_space<hbm>>
    %dma_start3A_8 = arith.constant 0 : i32
    %dma_start3A_9 = tpu.memref_slice %arg2[%dma_start3A, %mul3A_4, %dma_start3A_8] : memref<3x128x128xi32, #tpu.memory_space<hbm>> -> memref<1x4x128xi32, #tpu.memory_space<hbm>>
    %dma_start3A_10 = tpu.memref_squeeze %dma_start3A_9 : memref<1x4x128xi32, #tpu.memory_space<hbm>> -> memref<4x128xi32, #tpu.memory_space<hbm>>
    tpu.enqueue_dma source(%dma_start3A_10 : memref<4x128xi32, #tpu.memory_space<hbm>>) target(%arg7 : memref<4x128xi32, #tpu.memory_space<vmem>>) target_semaphore(%arg14 : memref<!tpu.dma_semaphore, #tpu.memory_space<semaphore_mem>>)
    %mul3A_11 = arith.constant 4 : i32
    %mul3A_12 = arith.muli %add3A, %mul3A_11 : i32
    %dma_start3A_13 = arith.constant 1 : i32
    %dma_start3A_14 = arith.constant 0 : i32
    %dma_start3A_15 = tpu.memref_slice %arg2[%dma_start3A_13, %mul3A_12, %dma_start3A_14] : memref<3x128x128xi32, #tpu.memory_space<hbm>> -> memref<1x4x128xi32, #tpu.memory_space<hbm>>
    %dma_start3A_16 = tpu.memref_squeeze %dma_start3A_15 : memref<1x4x128xi32, #tpu.memory_space<hbm>> -> memref<4x128xi32, #tpu.memory_space<hbm>>
    %dma_start3A_17 = arith.constant 0 : i32
    %dma_start3A_18 = tpu.memref_slice %arg2[%dma_start3A_13, %mul3A_12, %dma_start3A_17] : memref<3x128x128xi32, #tpu.memory_space<hbm>> -> memref<1x4x128xi32, #tpu.memory_space<hbm>>
    %dma_start3A_19 = tpu.memref_squeeze %dma_start3A_18 : memref<1x4x128xi32, #tpu.memory_space<hbm>> -> memref<4x128xi32, #tpu.memory_space<hbm>>
    tpu.enqueue_dma source(%dma_start3A_19 : memref<4x128xi32, #tpu.memory_space<hbm>>) target(%arg8 : memref<4x128xi32, #tpu.memory_space<vmem>>) target_semaphore(%arg14 : memref<!tpu.dma_semaphore, #tpu.memory_space<semaphore_mem>>)
    %mul3A_20 = arith.constant 4 : i32
    %mul3A_21 = arith.muli %add3A, %mul3A_20 : i32
    %dma_start3A_22 = arith.constant 2 : i32
    %dma_start3A_23 = arith.constant 0 : i32
    %dma_start3A_24 = tpu.memref_slice %arg2[%dma_start3A_22, %mul3A_21, %dma_start3A_23] : memref<3x128x128xi32, #tpu.memory_space<hbm>> -> memref<1x4x128xi32, #tpu.memory_space<hbm>>
    %dma_start3A_25 = tpu.memref_squeeze %dma_start3A_24 : memref<1x4x128xi32, #tpu.memory_space<hbm>> -> memref<4x128xi32, #tpu.memory_space<hbm>>
    %dma_start3A_26 = arith.constant 0 : i32
    %dma_start3A_27 = tpu.memref_slice %arg2[%dma_start3A_22, %mul3A_21, %dma_start3A_26] : memref<3x128x128xi32, #tpu.memory_space<hbm>> -> memref<1x4x128xi32, #tpu.memory_space<hbm>>
    %dma_start3A_28 = tpu.memref_squeeze %dma_start3A_27 : memref<1x4x128xi32, #tpu.memory_space<hbm>> -> memref<4x128xi32, #tpu.memory_space<hbm>>
    tpu.enqueue_dma source(%dma_start3A_28 : memref<4x128xi32, #tpu.memory_space<hbm>>) target(%arg9 : memref<4x128xi32, #tpu.memory_space<vmem>>) target_semaphore(%arg14 : memref<!tpu.dma_semaphore, #tpu.memory_space<semaphore_mem>>)
    tpu.enqueue_dma source(%arg3 : memref<32x128xf32, #tpu.memory_space<hbm>>) target(%arg10 : memref<32x128xf32, #tpu.memory_space<vmem>>) target_semaphore(%arg14 : memref<!tpu.dma_semaphore, #tpu.memory_space<semaphore_mem>>)
    %dma_wait3A = arith.constant 0 : i32
    %dma_wait3A_29 = arith.constant 0 : i32
    %dma_wait3A_30 = tpu.memref_slice %arg2[%dma_wait3A, %mul3A_4, %dma_wait3A_29] : memref<3x128x128xi32, #tpu.memory_space<hbm>> -> memref<1x4x128xi32, #tpu.memory_space<hbm>>
    %dma_wait3A_31 = tpu.memref_squeeze %dma_wait3A_30 : memref<1x4x128xi32, #tpu.memory_space<hbm>> -> memref<4x128xi32, #tpu.memory_space<hbm>>
    %dma_wait3A_32 = arith.constant 0 : i32
    %dma_wait3A_33 = tpu.memref_slice %arg2[%dma_wait3A, %mul3A_4, %dma_wait3A_32] : memref<3x128x128xi32, #tpu.memory_space<hbm>> -> memref<1x4x128xi32, #tpu.memory_space<hbm>>
    %dma_wait3A_34 = tpu.memref_squeeze %dma_wait3A_33 : memref<1x4x128xi32, #tpu.memory_space<hbm>> -> memref<4x128xi32, #tpu.memory_space<hbm>>
    tpu.wait_dma2 semaphore(%arg14 : memref<!tpu.dma_semaphore, #tpu.memory_space<semaphore_mem>>) src(%dma_wait3A_34 : memref<4x128xi32, #tpu.memory_space<hbm>>) dst(%arg7 : memref<4x128xi32, #tpu.memory_space<vmem>>)
    %dma_wait3A_35 = arith.constant 1 : i32
    %dma_wait3A_36 = arith.constant 0 : i32
    %dma_wait3A_37 = tpu.memref_slice %arg2[%dma_wait3A_35, %mul3A_12, %dma_wait3A_36] : memref<3x128x128xi32, #tpu.memory_space<hbm>> -> memref<1x4x128xi32, #tpu.memory_space<hbm>>
    %dma_wait3A_38 = tpu.memref_squeeze %dma_wait3A_37 : memref<1x4x128xi32, #tpu.memory_space<hbm>> -> memref<4x128xi32, #tpu.memory_space<hbm>>
    %dma_wait3A_39 = arith.constant 0 : i32
    %dma_wait3A_40 = tpu.memref_slice %arg2[%dma_wait3A_35, %mul3A_12, %dma_wait3A_39] : memref<3x128x128xi32, #tpu.memory_space<hbm>> -> memref<1x4x128xi32, #tpu.memory_space<hbm>>
    %dma_wait3A_41 = tpu.memref_squeeze %dma_wait3A_40 : memref<1x4x128xi32, #tpu.memory_space<hbm>> -> memref<4x128xi32, #tpu.memory_space<hbm>>
    tpu.wait_dma2 semaphore(%arg14 : memref<!tpu.dma_semaphore, #tpu.memory_space<semaphore_mem>>) src(%dma_wait3A_41 : memref<4x128xi32, #tpu.memory_space<hbm>>) dst(%arg8 : memref<4x128xi32, #tpu.memory_space<vmem>>)
    %dma_wait3A_42 = arith.constant 2 : i32
    %dma_wait3A_43 = arith.constant 0 : i32
    %dma_wait3A_44 = tpu.memref_slice %arg2[%dma_wait3A_42, %mul3A_21, %dma_wait3A_43] : memref<3x128x128xi32, #tpu.memory_space<hbm>> -> memref<1x4x128xi32, #tpu.memory_space<hbm>>
    %dma_wait3A_45 = tpu.memref_squeeze %dma_wait3A_44 : memref<1x4x128xi32, #tpu.memory_space<hbm>> -> memref<4x128xi32, #tpu.memory_space<hbm>>
    %dma_wait3A_46 = arith.constant 0 : i32
    %dma_wait3A_47 = tpu.memref_slice %arg2[%dma_wait3A_42, %mul3A_21, %dma_wait3A_46] : memref<3x128x128xi32, #tpu.memory_space<hbm>> -> memref<1x4x128xi32, #tpu.memory_space<hbm>>
    %dma_wait3A_48 = tpu.memref_squeeze %dma_wait3A_47 : memref<1x4x128xi32, #tpu.memory_space<hbm>> -> memref<4x128xi32, #tpu.memory_space<hbm>>
    tpu.wait_dma2 semaphore(%arg14 : memref<!tpu.dma_semaphore, #tpu.memory_space<semaphore_mem>>) src(%dma_wait3A_48 : memref<4x128xi32, #tpu.memory_space<hbm>>) dst(%arg9 : memref<4x128xi32, #tpu.memory_space<vmem>>)
    tpu.wait_dma2 semaphore(%arg14 : memref<!tpu.dma_semaphore, #tpu.memory_space<semaphore_mem>>) src(%arg3 : memref<32x128xf32, #tpu.memory_space<hbm>>) dst(%arg10 : memref<32x128xf32, #tpu.memory_space<vmem>>)
    %parallel_loop3A = arith.constant 0 : i32
    %parallel_loop3A_49 = arith.constant 4 : i32
    %parallel_loop3A_50 = arith.constant 1 : i32
    scf.for %parallel_loop3A_75 = %parallel_loop3A to %parallel_loop3A_49 step %parallel_loop3A_50  : i32 {
      %parallel_loop3A_76 = arith.constant 0 : i32
      %parallel_loop3A_77 = arith.constant 8 : i32
      %parallel_loop3A_78 = arith.constant 1 : i32
      scf.for %parallel_loop3A_79 = %parallel_loop3A_76 to %parallel_loop3A_77 step %parallel_loop3A_78  : i32 {
        %parallel_loop3A_80 = arith.constant 16 : i32
        %parallel_loop3A_81 = arith.muli %parallel_loop3A_79, %parallel_loop3A_80 : i32
        %parallel_loop3A_82 = arith.index_cast %parallel_loop3A_75 : i32 to index
        %parallel_loop3A_83 = arith.index_cast %parallel_loop3A_81 : i32 to index
        %parallel_loop3A_84 = tpu.vector_load %arg7[%parallel_loop3A_82, %parallel_loop3A_83] {strides = array<i32>} : memref<4x128xi32, #tpu.memory_space<vmem>>, vector<16xi32>,
        %parallel_loop3A_85 = arith.index_cast %parallel_loop3A_75 : i32 to index
        %parallel_loop3A_86 = arith.index_cast %parallel_loop3A_81 : i32 to index
        %parallel_loop3A_87 = tpu.vector_load %arg8[%parallel_loop3A_85, %parallel_loop3A_86] {strides = array<i32>} : memref<4x128xi32, #tpu.memory_space<vmem>>, vector<16xi32>,
        %parallel_loop3A_88 = arith.index_cast %parallel_loop3A_75 : i32 to index
        %parallel_loop3A_89 = arith.index_cast %parallel_loop3A_81 : i32 to index
        %parallel_loop3A_90 = tpu.vector_load %arg9[%parallel_loop3A_88, %parallel_loop3A_89] {strides = array<i32>} : memref<4x128xi32, #tpu.memory_space<vmem>>, vector<16xi32>,
        %parallel_loop3A_91 = arith.constant 128 : i32
        %parallel_loop3A_92 = arith.muli %parallel_loop3A_75, %parallel_loop3A_91 : i32
        %parallel_loop3A_93 = arith.constant 16 : i32
        %parallel_loop3A_94 = arith.muli %parallel_loop3A_79, %parallel_loop3A_93 : i32
        %parallel_loop3A_95 = arith.addi %parallel_loop3A_92, %parallel_loop3A_94 : i32
        %parallel_loop3A_96 = arith.constant 0 : i32
        %parallel_loop3A_97 = vector.broadcast %parallel_loop3A_96 : i32 to vector<16xi32>
        %parallel_loop3A_98 = tpu.vector_load_idx %arg10[%parallel_loop3A_97, %parallel_loop3A_84] : memref<32x128xf32, #tpu.memory_space<vmem>>[vector<16xi32>, vector<16xi32>], vector<16xf32>,
        %parallel_loop3A_99 = arith.constant 0 : i32
        %parallel_loop3A_100 = arith.index_cast %parallel_loop3A_99 : i32 to index
        %parallel_loop3A_101 = arith.index_cast %parallel_loop3A_95 : i32 to index
        %parallel_loop3A_102 = tpu.vector_load %arg11[%parallel_loop3A_100, %parallel_loop3A_101] {strides = array<i32>} : memref<16x512xf32, #tpu.memory_space<vmem>>, vector<16xf32>,
        tpu.vector_store %arg11[%parallel_loop3A_100, %parallel_loop3A_101], %parallel_loop3A_98 {strides = array<i32>} : memref<16x512xf32, #tpu.memory_space<vmem>>, vector<16xf32>,
        %parallel_loop3A_103 = arith.constant 1 : i32
        %parallel_loop3A_104 = vector.broadcast %parallel_loop3A_103 : i32 to vector<16xi32>
        %parallel_loop3A_105 = tpu.vector_load_idx %arg10[%parallel_loop3A_104, %parallel_loop3A_84] : memref<32x128xf32, #tpu.memory_space<vmem>>[vector<16xi32>, vector<16xi32>], vector<16xf32>,
        %parallel_loop3A_106 = arith.constant 1 : i32
        %parallel_loop3A_107 = arith.index_cast %parallel_loop3A_106 : i32 to index
        %parallel_loop3A_108 = arith.index_cast %parallel_loop3A_95 : i32 to index
        %parallel_loop3A_109 = tpu.vector_load %arg11[%parallel_loop3A_107, %parallel_loop3A_108] {strides = array<i32>} : memref<16x512xf32, #tpu.memory_space<vmem>>, vector<16xf32>,
        tpu.vector_store %arg11[%parallel_loop3A_107, %parallel_loop3A_108], %parallel_loop3A_105 {strides = array<i32>} : memref<16x512xf32, #tpu.memory_space<vmem>>, vector<16xf32>,
        %parallel_loop3A_110 = arith.constant 2 : i32
        %parallel_loop3A_111 = vector.broadcast %parallel_loop3A_110 : i32 to vector<16xi32>
        %parallel_loop3A_112 = tpu.vector_load_idx %arg10[%parallel_loop3A_111, %parallel_loop3A_84] : memref<32x128xf32, #tpu.memory_space<vmem>>[vector<16xi32>, vector<16xi32>], vector<16xf32>,
        %parallel_loop3A_113 = arith.constant 2 : i32
        %parallel_loop3A_114 = arith.index_cast %parallel_loop3A_113 : i32 to index
        %parallel_loop3A_115 = arith.index_cast %parallel_loop3A_95 : i32 to index
        %parallel_loop3A_116 = tpu.vector_load %arg11[%parallel_loop3A_114, %parallel_loop3A_115] {strides = array<i32>} : memref<16x512xf32, #tpu.memory_space<vmem>>, vector<16xf32>,
        tpu.vector_store %arg11[%parallel_loop3A_114, %parallel_loop3A_115], %parallel_loop3A_112 {strides = array<i32>} : memref<16x512xf32, #tpu.memory_space<vmem>>, vector<16xf32>,
        %parallel_loop3A_117 = arith.constant 3 : i32
        %parallel_loop3A_118 = vector.broadcast %parallel_loop3A_117 : i32 to vector<16xi32>
        %parallel_loop3A_119 = tpu.vector_load_idx %arg10[%parallel_loop3A_118, %parallel_loop3A_84] : memref<32x128xf32, #tpu.memory_space<vmem>>[vector<16xi32>, vector<16xi32>], vector<16xf32>,
        %parallel_loop3A_120 = arith.constant 3 : i32
        %parallel_loop3A_121 = arith.index_cast %parallel_loop3A_120 : i32 to index
        %parallel_loop3A_122 = arith.index_cast %parallel_loop3A_95 : i32 to index
        %parallel_loop3A_123 = tpu.vector_load %arg11[%parallel_loop3A_121, %parallel_loop3A_122] {strides = array<i32>} : memref<16x512xf32, #tpu.memory_space<vmem>>, vector<16xf32>,
        tpu.vector_store %arg11[%parallel_loop3A_121, %parallel_loop3A_122], %parallel_loop3A_119 {strides = array<i32>} : memref<16x512xf32, #tpu.memory_space<vmem>>, vector<16xf32>,
        %parallel_loop3A_124 = arith.constant 4 : i32
        %parallel_loop3A_125 = vector.broadcast %parallel_loop3A_124 : i32 to vector<16xi32>
        %parallel_loop3A_126 = tpu.vector_load_idx %arg10[%parallel_loop3A_125, %parallel_loop3A_84] : memref<32x128xf32, #tpu.memory_space<vmem>>[vector<16xi32>, vector<16xi32>], vector<16xf32>,
        %parallel_loop3A_127 = arith.constant 4 : i32
        %parallel_loop3A_128 = arith.index_cast %parallel_loop3A_127 : i32 to index
        %parallel_loop3A_129 = arith.index_cast %parallel_loop3A_95 : i32 to index
        %parallel_loop3A_130 = tpu.vector_load %arg11[%parallel_loop3A_128, %parallel_loop3A_129] {strides = array<i32>} : memref<16x512xf32, #tpu.memory_space<vmem>>, vector<16xf32>,
        tpu.vector_store %arg11[%parallel_loop3A_128, %parallel_loop3A_129], %parallel_loop3A_126 {strides = array<i32>} : memref<16x512xf32, #tpu.memory_space<vmem>>, vector<16xf32>,
        %parallel_loop3A_131 = arith.constant 5 : i32
        %parallel_loop3A_132 = vector.broadcast %parallel_loop3A_131 : i32 to vector<16xi32>
        %parallel_loop3A_133 = tpu.vector_load_idx %arg10[%parallel_loop3A_132, %parallel_loop3A_84] : memref<32x128xf32, #tpu.memory_space<vmem>>[vector<16xi32>, vector<16xi32>], vector<16xf32>,
        %parallel_loop3A_134 = arith.constant 5 : i32
        %parallel_loop3A_135 = arith.index_cast %parallel_loop3A_134 : i32 to index
        %parallel_loop3A_136 = arith.index_cast %parallel_loop3A_95 : i32 to index
        %parallel_loop3A_137 = tpu.vector_load %arg11[%parallel_loop3A_135, %parallel_loop3A_136] {strides = array<i32>} : memref<16x512xf32, #tpu.memory_space<vmem>>, vector<16xf32>,
        tpu.vector_store %arg11[%parallel_loop3A_135, %parallel_loop3A_136], %parallel_loop3A_133 {strides = array<i32>} : memref<16x512xf32, #tpu.memory_space<vmem>>, vector<16xf32>,
        %parallel_loop3A_138 = arith.constant 6 : i32
        %parallel_loop3A_139 = vector.broadcast %parallel_loop3A_138 : i32 to vector<16xi32>
        %parallel_loop3A_140 = tpu.vector_load_idx %arg10[%parallel_loop3A_139, %parallel_loop3A_84] : memref<32x128xf32, #tpu.memory_space<vmem>>[vector<16xi32>, vector<16xi32>], vector<16xf32>,
        %parallel_loop3A_141 = arith.constant 6 : i32
        %parallel_loop3A_142 = arith.index_cast %parallel_loop3A_141 : i32 to index
        %parallel_loop3A_143 = arith.index_cast %parallel_loop3A_95 : i32 to index
        %parallel_loop3A_144 = tpu.vector_load %arg11[%parallel_loop3A_142, %parallel_loop3A_143] {strides = array<i32>} : memref<16x512xf32, #tpu.memory_space<vmem>>, vector<16xf32>,
        tpu.vector_store %arg11[%parallel_loop3A_142, %parallel_loop3A_143], %parallel_loop3A_140 {strides = array<i32>} : memref<16x512xf32, #tpu.memory_space<vmem>>, vector<16xf32>,
        %parallel_loop3A_145 = arith.constant 7 : i32
        %parallel_loop3A_146 = vector.broadcast %parallel_loop3A_145 : i32 to vector<16xi32>
        %parallel_loop3A_147 = tpu.vector_load_idx %arg10[%parallel_loop3A_146, %parallel_loop3A_84] : memref<32x128xf32, #tpu.memory_space<vmem>>[vector<16xi32>, vector<16xi32>], vector<16xf32>,
        %parallel_loop3A_148 = arith.constant 7 : i32
        %parallel_loop3A_149 = arith.index_cast %parallel_loop3A_148 : i32 to index
        %parallel_loop3A_150 = arith.index_cast %parallel_loop3A_95 : i32 to index
        %parallel_loop3A_151 = tpu.vector_load %arg11[%parallel_loop3A_149, %parallel_loop3A_150] {strides = array<i32>} : memref<16x512xf32, #tpu.memory_space<vmem>>, vector<16xf32>,
        tpu.vector_store %arg11[%parallel_loop3A_149, %parallel_loop3A_150], %parallel_loop3A_147 {strides = array<i32>} : memref<16x512xf32, #tpu.memory_space<vmem>>, vector<16xf32>,
        %parallel_loop3A_152 = arith.constant 8 : i32
        %parallel_loop3A_153 = vector.broadcast %parallel_loop3A_152 : i32 to vector<16xi32>
        %parallel_loop3A_154 = tpu.vector_load_idx %arg10[%parallel_loop3A_153, %parallel_loop3A_84] : memref<32x128xf32, #tpu.memory_space<vmem>>[vector<16xi32>, vector<16xi32>], vector<16xf32>,
        %parallel_loop3A_155 = arith.constant 8 : i32
        %parallel_loop3A_156 = arith.index_cast %parallel_loop3A_155 : i32 to index
        %parallel_loop3A_157 = arith.index_cast %parallel_loop3A_95 : i32 to index
        %parallel_loop3A_158 = tpu.vector_load %arg11[%parallel_loop3A_156, %parallel_loop3A_157] {strides = array<i32>} : memref<16x512xf32, #tpu.memory_space<vmem>>, vector<16xf32>,
        tpu.vector_store %arg11[%parallel_loop3A_156, %parallel_loop3A_157], %parallel_loop3A_154 {strides = array<i32>} : memref<16x512xf32, #tpu.memory_space<vmem>>, vector<16xf32>,
        %parallel_loop3A_159 = arith.constant 9 : i32
        %parallel_loop3A_160 = vector.broadcast %parallel_loop3A_159 : i32 to vector<16xi32>
        %parallel_loop3A_161 = tpu.vector_load_idx %arg10[%parallel_loop3A_160, %parallel_loop3A_84] : memref<32x128xf32, #tpu.memory_space<vmem>>[vector<16xi32>, vector<16xi32>], vector<16xf32>,
        %parallel_loop3A_162 = arith.constant 9 : i32
        %parallel_loop3A_163 = arith.index_cast %parallel_loop3A_162 : i32 to index
        %parallel_loop3A_164 = arith.index_cast %parallel_loop3A_95 : i32 to index
        %parallel_loop3A_165 = tpu.vector_load %arg11[%parallel_loop3A_163, %parallel_loop3A_164] {strides = array<i32>} : memref<16x512xf32, #tpu.memory_space<vmem>>, vector<16xf32>,
        tpu.vector_store %arg11[%parallel_loop3A_163, %parallel_loop3A_164], %parallel_loop3A_161 {strides = array<i32>} : memref<16x512xf32, #tpu.memory_space<vmem>>, vector<16xf32>,
        %parallel_loop3A_166 = arith.constant 10 : i32
        %parallel_loop3A_167 = vector.broadcast %parallel_loop3A_166 : i32 to vector<16xi32>
        %parallel_loop3A_168 = tpu.vector_load_idx %arg10[%parallel_loop3A_167, %parallel_loop3A_84] : memref<32x128xf32, #tpu.memory_space<vmem>>[vector<16xi32>, vector<16xi32>], vector<16xf32>,
        %parallel_loop3A_169 = arith.constant 10 : i32
        %parallel_loop3A_170 = arith.index_cast %parallel_loop3A_169 : i32 to index
        %parallel_loop3A_171 = arith.index_cast %parallel_loop3A_95 : i32 to index
        %parallel_loop3A_172 = tpu.vector_load %arg11[%parallel_loop3A_170, %parallel_loop3A_171] {strides = array<i32>} : memref<16x512xf32, #tpu.memory_space<vmem>>, vector<16xf32>,
        tpu.vector_store %arg11[%parallel_loop3A_170, %parallel_loop3A_171], %parallel_loop3A_168 {strides = array<i32>} : memref<16x512xf32, #tpu.memory_space<vmem>>, vector<16xf32>,
        %parallel_loop3A_173 = arith.constant 11 : i32
        %parallel_loop3A_174 = vector.broadcast %parallel_loop3A_173 : i32 to vector<16xi32>
        %parallel_loop3A_175 = tpu.vector_load_idx %arg10[%parallel_loop3A_174, %parallel_loop3A_84] : memref<32x128xf32, #tpu.memory_space<vmem>>[vector<16xi32>, vector<16xi32>], vector<16xf32>,
        %parallel_loop3A_176 = arith.constant 11 : i32
        %parallel_loop3A_177 = arith.index_cast %parallel_loop3A_176 : i32 to index
        %parallel_loop3A_178 = arith.index_cast %parallel_loop3A_95 : i32 to index
        %parallel_loop3A_179 = tpu.vector_load %arg11[%parallel_loop3A_177, %parallel_loop3A_178] {strides = array<i32>} : memref<16x512xf32, #tpu.memory_space<vmem>>, vector<16xf32>,
        tpu.vector_store %arg11[%parallel_loop3A_177, %parallel_loop3A_178], %parallel_loop3A_175 {strides = array<i32>} : memref<16x512xf32, #tpu.memory_space<vmem>>, vector<16xf32>,
        %parallel_loop3A_180 = arith.constant 12 : i32
        %parallel_loop3A_181 = vector.broadcast %parallel_loop3A_180 : i32 to vector<16xi32>
        %parallel_loop3A_182 = tpu.vector_load_idx %arg10[%parallel_loop3A_181, %parallel_loop3A_84] : memref<32x128xf32, #tpu.memory_space<vmem>>[vector<16xi32>, vector<16xi32>], vector<16xf32>,
        %parallel_loop3A_183 = arith.constant 12 : i32
        %parallel_loop3A_184 = arith.index_cast %parallel_loop3A_183 : i32 to index
        %parallel_loop3A_185 = arith.index_cast %parallel_loop3A_95 : i32 to index
        %parallel_loop3A_186 = tpu.vector_load %arg11[%parallel_loop3A_184, %parallel_loop3A_185] {strides = array<i32>} : memref<16x512xf32, #tpu.memory_space<vmem>>, vector<16xf32>,
        tpu.vector_store %arg11[%parallel_loop3A_184, %parallel_loop3A_185], %parallel_loop3A_182 {strides = array<i32>} : memref<16x512xf32, #tpu.memory_space<vmem>>, vector<16xf32>,
        %parallel_loop3A_187 = arith.constant 13 : i32
        %parallel_loop3A_188 = vector.broadcast %parallel_loop3A_187 : i32 to vector<16xi32>
        %parallel_loop3A_189 = tpu.vector_load_idx %arg10[%parallel_loop3A_188, %parallel_loop3A_84] : memref<32x128xf32, #tpu.memory_space<vmem>>[vector<16xi32>, vector<16xi32>], vector<16xf32>,
        %parallel_loop3A_190 = arith.constant 13 : i32
        %parallel_loop3A_191 = arith.index_cast %parallel_loop3A_190 : i32 to index
        %parallel_loop3A_192 = arith.index_cast %parallel_loop3A_95 : i32 to index
        %parallel_loop3A_193 = tpu.vector_load %arg11[%parallel_loop3A_191, %parallel_loop3A_192] {strides = array<i32>} : memref<16x512xf32, #tpu.memory_space<vmem>>, vector<16xf32>,
        tpu.vector_store %arg11[%parallel_loop3A_191, %parallel_loop3A_192], %parallel_loop3A_189 {strides = array<i32>} : memref<16x512xf32, #tpu.memory_space<vmem>>, vector<16xf32>,
        %parallel_loop3A_194 = arith.constant 14 : i32
        %parallel_loop3A_195 = vector.broadcast %parallel_loop3A_194 : i32 to vector<16xi32>
        %parallel_loop3A_196 = tpu.vector_load_idx %arg10[%parallel_loop3A_195, %parallel_loop3A_84] : memref<32x128xf32, #tpu.memory_space<vmem>>[vector<16xi32>, vector<16xi32>], vector<16xf32>,
        %parallel_loop3A_197 = arith.constant 14 : i32
        %parallel_loop3A_198 = arith.index_cast %parallel_loop3A_197 : i32 to index
        %parallel_loop3A_199 = arith.index_cast %parallel_loop3A_95 : i32 to index
        %parallel_loop3A_200 = tpu.vector_load %arg11[%parallel_loop3A_198, %parallel_loop3A_199] {strides = array<i32>} : memref<16x512xf32, #tpu.memory_space<vmem>>, vector<16xf32>,
        tpu.vector_store %arg11[%parallel_loop3A_198, %parallel_loop3A_199], %parallel_loop3A_196 {strides = array<i32>} : memref<16x512xf32, #tpu.memory_space<vmem>>, vector<16xf32>,
        %parallel_loop3A_201 = arith.constant 15 : i32
        %parallel_loop3A_202 = vector.broadcast %parallel_loop3A_201 : i32 to vector<16xi32>
        %parallel_loop3A_203 = tpu.vector_load_idx %arg10[%parallel_loop3A_202, %parallel_loop3A_84] : memref<32x128xf32, #tpu.memory_space<vmem>>[vector<16xi32>, vector<16xi32>], vector<16xf32>,
        %parallel_loop3A_204 = arith.constant 15 : i32
        %parallel_loop3A_205 = arith.index_cast %parallel_loop3A_204 : i32 to index
        %parallel_loop3A_206 = arith.index_cast %parallel_loop3A_95 : i32 to index
        %parallel_loop3A_207 = tpu.vector_load %arg11[%parallel_loop3A_205, %parallel_loop3A_206] {strides = array<i32>} : memref<16x512xf32, #tpu.memory_space<vmem>>, vector<16xf32>,
        tpu.vector_store %arg11[%parallel_loop3A_205, %parallel_loop3A_206], %parallel_loop3A_203 {strides = array<i32>} : memref<16x512xf32, #tpu.memory_space<vmem>>, vector<16xf32>,
        %parallel_loop3A_208 = arith.constant 16 : i32
        %parallel_loop3A_209 = vector.broadcast %parallel_loop3A_208 : i32 to vector<16xi32>
        %parallel_loop3A_210 = tpu.vector_load_idx %arg10[%parallel_loop3A_209, %parallel_loop3A_87] : memref<32x128xf32, #tpu.memory_space<vmem>>[vector<16xi32>, vector<16xi32>], vector<16xf32>,
        %parallel_loop3A_211 = arith.constant 0 : i32
        %parallel_loop3A_212 = arith.index_cast %parallel_loop3A_211 : i32 to index
        %parallel_loop3A_213 = arith.index_cast %parallel_loop3A_95 : i32 to index
        %parallel_loop3A_214 = tpu.vector_load %arg12[%parallel_loop3A_212, %parallel_loop3A_213] {strides = array<i32>} : memref<8x512xf32, #tpu.memory_space<vmem>>, vector<16xf32>,
        tpu.vector_store %arg12[%parallel_loop3A_212, %parallel_loop3A_213], %parallel_loop3A_210 {strides = array<i32>} : memref<8x512xf32, #tpu.memory_space<vmem>>, vector<16xf32>,
        %parallel_loop3A_215 = arith.constant 17 : i32
        %parallel_loop3A_216 = vector.broadcast %parallel_loop3A_215 : i32 to vector<16xi32>
        %parallel_loop3A_217 = tpu.vector_load_idx %arg10[%parallel_loop3A_216, %parallel_loop3A_87] : memref<32x128xf32, #tpu.memory_space<vmem>>[vector<16xi32>, vector<16xi32>], vector<16xf32>,
        %parallel_loop3A_218 = arith.constant 1 : i32
        %parallel_loop3A_219 = arith.index_cast %parallel_loop3A_218 : i32 to index
        %parallel_loop3A_220 = arith.index_cast %parallel_loop3A_95 : i32 to index
        %parallel_loop3A_221 = tpu.vector_load %arg12[%parallel_loop3A_219, %parallel_loop3A_220] {strides = array<i32>} : memref<8x512xf32, #tpu.memory_space<vmem>>, vector<16xf32>,
        tpu.vector_store %arg12[%parallel_loop3A_219, %parallel_loop3A_220], %parallel_loop3A_217 {strides = array<i32>} : memref<8x512xf32, #tpu.memory_space<vmem>>, vector<16xf32>,
        %parallel_loop3A_222 = arith.constant 18 : i32
        %parallel_loop3A_223 = vector.broadcast %parallel_loop3A_222 : i32 to vector<16xi32>
        %parallel_loop3A_224 = tpu.vector_load_idx %arg10[%parallel_loop3A_223, %parallel_loop3A_87] : memref<32x128xf32, #tpu.memory_space<vmem>>[vector<16xi32>, vector<16xi32>], vector<16xf32>,
        %parallel_loop3A_225 = arith.constant 2 : i32
        %parallel_loop3A_226 = arith.index_cast %parallel_loop3A_225 : i32 to index
        %parallel_loop3A_227 = arith.index_cast %parallel_loop3A_95 : i32 to index
        %parallel_loop3A_228 = tpu.vector_load %arg12[%parallel_loop3A_226, %parallel_loop3A_227] {strides = array<i32>} : memref<8x512xf32, #tpu.memory_space<vmem>>, vector<16xf32>,
        tpu.vector_store %arg12[%parallel_loop3A_226, %parallel_loop3A_227], %parallel_loop3A_224 {strides = array<i32>} : memref<8x512xf32, #tpu.memory_space<vmem>>, vector<16xf32>,
        %parallel_loop3A_229 = arith.constant 19 : i32
        %parallel_loop3A_230 = vector.broadcast %parallel_loop3A_229 : i32 to vector<16xi32>
        %parallel_loop3A_231 = tpu.vector_load_idx %arg10[%parallel_loop3A_230, %parallel_loop3A_87] : memref<32x128xf32, #tpu.memory_space<vmem>>[vector<16xi32>, vector<16xi32>], vector<16xf32>,
        %parallel_loop3A_232 = arith.constant 3 : i32
        %parallel_loop3A_233 = arith.index_cast %parallel_loop3A_232 : i32 to index
        %parallel_loop3A_234 = arith.index_cast %parallel_loop3A_95 : i32 to index
        %parallel_loop3A_235 = tpu.vector_load %arg12[%parallel_loop3A_233, %parallel_loop3A_234] {strides = array<i32>} : memref<8x512xf32, #tpu.memory_space<vmem>>, vector<16xf32>,
        tpu.vector_store %arg12[%parallel_loop3A_233, %parallel_loop3A_234], %parallel_loop3A_231 {strides = array<i32>} : memref<8x512xf32, #tpu.memory_space<vmem>>, vector<16xf32>,
        %parallel_loop3A_236 = arith.constant 20 : i32
        %parallel_loop3A_237 = vector.broadcast %parallel_loop3A_236 : i32 to vector<16xi32>
        %parallel_loop3A_238 = tpu.vector_load_idx %arg10[%parallel_loop3A_237, %parallel_loop3A_87] : memref<32x128xf32, #tpu.memory_space<vmem>>[vector<16xi32>, vector<16xi32>], vector<16xf32>,
        %parallel_loop3A_239 = arith.constant 4 : i32
        %parallel_loop3A_240 = arith.index_cast %parallel_loop3A_239 : i32 to index
        %parallel_loop3A_241 = arith.index_cast %parallel_loop3A_95 : i32 to index
        %parallel_loop3A_242 = tpu.vector_load %arg12[%parallel_loop3A_240, %parallel_loop3A_241] {strides = array<i32>} : memref<8x512xf32, #tpu.memory_space<vmem>>, vector<16xf32>,
        tpu.vector_store %arg12[%parallel_loop3A_240, %parallel_loop3A_241], %parallel_loop3A_238 {strides = array<i32>} : memref<8x512xf32, #tpu.memory_space<vmem>>, vector<16xf32>,
        %parallel_loop3A_243 = arith.constant 21 : i32
        %parallel_loop3A_244 = vector.broadcast %parallel_loop3A_243 : i32 to vector<16xi32>
        %parallel_loop3A_245 = tpu.vector_load_idx %arg10[%parallel_loop3A_244, %parallel_loop3A_87] : memref<32x128xf32, #tpu.memory_space<vmem>>[vector<16xi32>, vector<16xi32>], vector<16xf32>,
        %parallel_loop3A_246 = arith.constant 5 : i32
        %parallel_loop3A_247 = arith.index_cast %parallel_loop3A_246 : i32 to index
        %parallel_loop3A_248 = arith.index_cast %parallel_loop3A_95 : i32 to index
        %parallel_loop3A_249 = tpu.vector_load %arg12[%parallel_loop3A_247, %parallel_loop3A_248] {strides = array<i32>} : memref<8x512xf32, #tpu.memory_space<vmem>>, vector<16xf32>,
        tpu.vector_store %arg12[%parallel_loop3A_247, %parallel_loop3A_248], %parallel_loop3A_245 {strides = array<i32>} : memref<8x512xf32, #tpu.memory_space<vmem>>, vector<16xf32>,
        %parallel_loop3A_250 = arith.constant 22 : i32
        %parallel_loop3A_251 = vector.broadcast %parallel_loop3A_250 : i32 to vector<16xi32>
        %parallel_loop3A_252 = tpu.vector_load_idx %arg10[%parallel_loop3A_251, %parallel_loop3A_87] : memref<32x128xf32, #tpu.memory_space<vmem>>[vector<16xi32>, vector<16xi32>], vector<16xf32>,
        %parallel_loop3A_253 = arith.constant 6 : i32
        %parallel_loop3A_254 = arith.index_cast %parallel_loop3A_253 : i32 to index
        %parallel_loop3A_255 = arith.index_cast %parallel_loop3A_95 : i32 to index
        %parallel_loop3A_256 = tpu.vector_load %arg12[%parallel_loop3A_254, %parallel_loop3A_255] {strides = array<i32>} : memref<8x512xf32, #tpu.memory_space<vmem>>, vector<16xf32>,
        tpu.vector_store %arg12[%parallel_loop3A_254, %parallel_loop3A_255], %parallel_loop3A_252 {strides = array<i32>} : memref<8x512xf32, #tpu.memory_space<vmem>>, vector<16xf32>,
        %parallel_loop3A_257 = arith.constant 23 : i32
        %parallel_loop3A_258 = vector.broadcast %parallel_loop3A_257 : i32 to vector<16xi32>
        %parallel_loop3A_259 = tpu.vector_load_idx %arg10[%parallel_loop3A_258, %parallel_loop3A_87] : memref<32x128xf32, #tpu.memory_space<vmem>>[vector<16xi32>, vector<16xi32>], vector<16xf32>,
        %parallel_loop3A_260 = arith.constant 7 : i32
        %parallel_loop3A_261 = arith.index_cast %parallel_loop3A_260 : i32 to index
        %parallel_loop3A_262 = arith.index_cast %parallel_loop3A_95 : i32 to index
        %parallel_loop3A_263 = tpu.vector_load %arg12[%parallel_loop3A_261, %parallel_loop3A_262] {strides = array<i32>} : memref<8x512xf32, #tpu.memory_space<vmem>>, vector<16xf32>,
        tpu.vector_store %arg12[%parallel_loop3A_261, %parallel_loop3A_262], %parallel_loop3A_259 {strides = array<i32>} : memref<8x512xf32, #tpu.memory_space<vmem>>, vector<16xf32>,
        %parallel_loop3A_264 = arith.constant 24 : i32
        %parallel_loop3A_265 = vector.broadcast %parallel_loop3A_264 : i32 to vector<16xi32>
        %parallel_loop3A_266 = tpu.vector_load_idx %arg10[%parallel_loop3A_265, %parallel_loop3A_90] : memref<32x128xf32, #tpu.memory_space<vmem>>[vector<16xi32>, vector<16xi32>], vector<16xf32>,
        %parallel_loop3A_267 = arith.constant 0 : i32
        %parallel_loop3A_268 = arith.index_cast %parallel_loop3A_267 : i32 to index
        %parallel_loop3A_269 = arith.index_cast %parallel_loop3A_95 : i32 to index
        %parallel_loop3A_270 = tpu.vector_load %arg13[%parallel_loop3A_268, %parallel_loop3A_269] {strides = array<i32>} : memref<8x512xf32, #tpu.memory_space<vmem>>, vector<16xf32>,
        tpu.vector_store %arg13[%parallel_loop3A_268, %parallel_loop3A_269], %parallel_loop3A_266 {strides = array<i32>} : memref<8x512xf32, #tpu.memory_space<vmem>>, vector<16xf32>,
        %parallel_loop3A_271 = arith.constant 25 : i32
        %parallel_loop3A_272 = vector.broadcast %parallel_loop3A_271 : i32 to vector<16xi32>
        %parallel_loop3A_273 = tpu.vector_load_idx %arg10[%parallel_loop3A_272, %parallel_loop3A_90] : memref<32x128xf32, #tpu.memory_space<vmem>>[vector<16xi32>, vector<16xi32>], vector<16xf32>,
        %parallel_loop3A_274 = arith.constant 1 : i32
        %parallel_loop3A_275 = arith.index_cast %parallel_loop3A_274 : i32 to index
        %parallel_loop3A_276 = arith.index_cast %parallel_loop3A_95 : i32 to index
        %parallel_loop3A_277 = tpu.vector_load %arg13[%parallel_loop3A_275, %parallel_loop3A_276] {strides = array<i32>} : memref<8x512xf32, #tpu.memory_space<vmem>>, vector<16xf32>,
        tpu.vector_store %arg13[%parallel_loop3A_275, %parallel_loop3A_276], %parallel_loop3A_273 {strides = array<i32>} : memref<8x512xf32, #tpu.memory_space<vmem>>, vector<16xf32>,
        %parallel_loop3A_278 = arith.constant 26 : i32
        %parallel_loop3A_279 = vector.broadcast %parallel_loop3A_278 : i32 to vector<16xi32>
        %parallel_loop3A_280 = tpu.vector_load_idx %arg10[%parallel_loop3A_279, %parallel_loop3A_90] : memref<32x128xf32, #tpu.memory_space<vmem>>[vector<16xi32>, vector<16xi32>], vector<16xf32>,
        %parallel_loop3A_281 = arith.constant 2 : i32
        %parallel_loop3A_282 = arith.index_cast %parallel_loop3A_281 : i32 to index
        %parallel_loop3A_283 = arith.index_cast %parallel_loop3A_95 : i32 to index
        %parallel_loop3A_284 = tpu.vector_load %arg13[%parallel_loop3A_282, %parallel_loop3A_283] {strides = array<i32>} : memref<8x512xf32, #tpu.memory_space<vmem>>, vector<16xf32>,
        tpu.vector_store %arg13[%parallel_loop3A_282, %parallel_loop3A_283], %parallel_loop3A_280 {strides = array<i32>} : memref<8x512xf32, #tpu.memory_space<vmem>>, vector<16xf32>,
        %parallel_loop3A_285 = arith.constant 27 : i32
        %parallel_loop3A_286 = vector.broadcast %parallel_loop3A_285 : i32 to vector<16xi32>
        %parallel_loop3A_287 = tpu.vector_load_idx %arg10[%parallel_loop3A_286, %parallel_loop3A_90] : memref<32x128xf32, #tpu.memory_space<vmem>>[vector<16xi32>, vector<16xi32>], vector<16xf32>,
        %parallel_loop3A_288 = arith.constant 3 : i32
        %parallel_loop3A_289 = arith.index_cast %parallel_loop3A_288 : i32 to index
        %parallel_loop3A_290 = arith.index_cast %parallel_loop3A_95 : i32 to index
        %parallel_loop3A_291 = tpu.vector_load %arg13[%parallel_loop3A_289, %parallel_loop3A_290] {strides = array<i32>} : memref<8x512xf32, #tpu.memory_space<vmem>>, vector<16xf32>,
        tpu.vector_store %arg13[%parallel_loop3A_289, %parallel_loop3A_290], %parallel_loop3A_287 {strides = array<i32>} : memref<8x512xf32, #tpu.memory_space<vmem>>, vector<16xf32>,
        %parallel_loop3A_292 = arith.constant 28 : i32
        %parallel_loop3A_293 = vector.broadcast %parallel_loop3A_292 : i32 to vector<16xi32>
        %parallel_loop3A_294 = tpu.vector_load_idx %arg10[%parallel_loop3A_293, %parallel_loop3A_90] : memref<32x128xf32, #tpu.memory_space<vmem>>[vector<16xi32>, vector<16xi32>], vector<16xf32>,
        %parallel_loop3A_295 = arith.constant 4 : i32
        %parallel_loop3A_296 = arith.index_cast %parallel_loop3A_295 : i32 to index
        %parallel_loop3A_297 = arith.index_cast %parallel_loop3A_95 : i32 to index
        %parallel_loop3A_298 = tpu.vector_load %arg13[%parallel_loop3A_296, %parallel_loop3A_297] {strides = array<i32>} : memref<8x512xf32, #tpu.memory_space<vmem>>, vector<16xf32>,
        tpu.vector_store %arg13[%parallel_loop3A_296, %parallel_loop3A_297], %parallel_loop3A_294 {strides = array<i32>} : memref<8x512xf32, #tpu.memory_space<vmem>>, vector<16xf32>,
        %parallel_loop3A_299 = arith.constant 29 : i32
        %parallel_loop3A_300 = vector.broadcast %parallel_loop3A_299 : i32 to vector<16xi32>
        %parallel_loop3A_301 = tpu.vector_load_idx %arg10[%parallel_loop3A_300, %parallel_loop3A_90] : memref<32x128xf32, #tpu.memory_space<vmem>>[vector<16xi32>, vector<16xi32>], vector<16xf32>,
        %parallel_loop3A_302 = arith.constant 5 : i32
        %parallel_loop3A_303 = arith.index_cast %parallel_loop3A_302 : i32 to index
        %parallel_loop3A_304 = arith.index_cast %parallel_loop3A_95 : i32 to index
        %parallel_loop3A_305 = tpu.vector_load %arg13[%parallel_loop3A_303, %parallel_loop3A_304] {strides = array<i32>} : memref<8x512xf32, #tpu.memory_space<vmem>>, vector<16xf32>,
        tpu.vector_store %arg13[%parallel_loop3A_303, %parallel_loop3A_304], %parallel_loop3A_301 {strides = array<i32>} : memref<8x512xf32, #tpu.memory_space<vmem>>, vector<16xf32>,
      } {sc.loop_unroll_factor = 1 : i64, sc.parallel_access}
    } {sc.loop_unroll_factor = 1 : i64, sc.parallel_access}
    %dma_start3A_51 = arith.constant 0 : i32
    %dma_start3A_52 = tpu.memref_slice %arg4[%dma_start3A_51, %mul3A_2] : memref<16x16384xf32, #tpu.memory_space<hbm>> -> memref<16x512xf32, #tpu.memory_space<hbm>>
    %dma_start3A_53 = arith.constant 0 : i32
    %dma_start3A_54 = tpu.memref_slice %arg4[%dma_start3A_53, %mul3A_2] : memref<16x16384xf32, #tpu.memory_space<hbm>> -> memref<16x512xf32, #tpu.memory_space<hbm>>
    tpu.enqueue_dma source(%arg11 : memref<16x512xf32, #tpu.memory_space<vmem>>) target(%dma_start3A_54 : memref<16x512xf32, #tpu.memory_space<hbm>>) target_semaphore(%arg15 : memref<!tpu.dma_semaphore, #tpu.memory_space<semaphore_mem>>)
    %dma_start3A_55 = arith.constant 0 : i32
    %dma_start3A_56 = tpu.memref_slice %arg5[%dma_start3A_55, %mul3A_2] : memref<8x16384xf32, #tpu.memory_space<hbm>> -> memref<8x512xf32, #tpu.memory_space<hbm>>
    %dma_start3A_57 = arith.constant 0 : i32
    %dma_start3A_58 = tpu.memref_slice %arg5[%dma_start3A_57, %mul3A_2] : memref<8x16384xf32, #tpu.memory_space<hbm>> -> memref<8x512xf32, #tpu.memory_space<hbm>>
    tpu.enqueue_dma source(%arg12 : memref<8x512xf32, #tpu.memory_space<vmem>>) target(%dma_start3A_58 : memref<8x512xf32, #tpu.memory_space<hbm>>) target_semaphore(%arg15 : memref<!tpu.dma_semaphore, #tpu.memory_space<semaphore_mem>>)
    %dma_start3A_59 = arith.constant 0 : i32
    %dma_start3A_60 = tpu.memref_slice %arg6[%dma_start3A_59, %mul3A_2] : memref<8x16384xf32, #tpu.memory_space<hbm>> -> memref<8x512xf32, #tpu.memory_space<hbm>>
    %dma_start3A_61 = arith.constant 0 : i32
    %dma_start3A_62 = tpu.memref_slice %arg6[%dma_start3A_61, %mul3A_2] : memref<8x16384xf32, #tpu.memory_space<hbm>> -> memref<8x512xf32, #tpu.memory_space<hbm>>
    tpu.enqueue_dma source(%arg13 : memref<8x512xf32, #tpu.memory_space<vmem>>) target(%dma_start3A_62 : memref<8x512xf32, #tpu.memory_space<hbm>>) target_semaphore(%arg15 : memref<!tpu.dma_semaphore, #tpu.memory_space<semaphore_mem>>)
    %dma_wait3A_63 = arith.constant 0 : i32
    %dma_wait3A_64 = tpu.memref_slice %arg4[%dma_wait3A_63, %mul3A_2] : memref<16x16384xf32, #tpu.memory_space<hbm>> -> memref<16x512xf32, #tpu.memory_space<hbm>>
    %dma_wait3A_65 = arith.constant 0 : i32
    %dma_wait3A_66 = tpu.memref_slice %arg4[%dma_wait3A_65, %mul3A_2] : memref<16x16384xf32, #tpu.memory_space<hbm>> -> memref<16x512xf32, #tpu.memory_space<hbm>>
    tpu.wait_dma2 semaphore(%arg15 : memref<!tpu.dma_semaphore, #tpu.memory_space<semaphore_mem>>) src(%arg11 : memref<16x512xf32, #tpu.memory_space<vmem>>) dst(%dma_wait3A_66 : memref<16x512xf32, #tpu.memory_space<hbm>>)
    %dma_wait3A_67 = arith.constant 0 : i32
    %dma_wait3A_68 = tpu.memref_slice %arg5[%dma_wait3A_67, %mul3A_2] : memref<8x16384xf32, #tpu.memory_space<hbm>> -> memref<8x512xf32, #tpu.memory_space<hbm>>
    %dma_wait3A_69 = arith.constant 0 : i32
    %dma_wait3A_70 = tpu.memref_slice %arg5[%dma_wait3A_69, %mul3A_2] : memref<8x16384xf32, #tpu.memory_space<hbm>> -> memref<8x512xf32, #tpu.memory_space<hbm>>
    tpu.wait_dma2 semaphore(%arg15 : memref<!tpu.dma_semaphore, #tpu.memory_space<semaphore_mem>>) src(%arg12 : memref<8x512xf32, #tpu.memory_space<vmem>>) dst(%dma_wait3A_70 : memref<8x512xf32, #tpu.memory_space<hbm>>)
    %dma_wait3A_71 = arith.constant 0 : i32
    %dma_wait3A_72 = tpu.memref_slice %arg6[%dma_wait3A_71, %mul3A_2] : memref<8x16384xf32, #tpu.memory_space<hbm>> -> memref<8x512xf32, #tpu.memory_space<hbm>>
    %dma_wait3A_73 = arith.constant 0 : i32
    %dma_wait3A_74 = tpu.memref_slice %arg6[%dma_wait3A_73, %mul3A_2] : memref<8x16384xf32, #tpu.memory_space<hbm>> -> memref<8x512xf32, #tpu.memory_space<hbm>>
    tpu.wait_dma2 semaphore(%arg15 : memref<!tpu.dma_semaphore, #tpu.memory_space<semaphore_mem>>) src(%arg13 : memref<8x512xf32, #tpu.memory_space<vmem>>) dst(%dma_wait3A_74 : memref<8x512xf32, #tpu.memory_space<hbm>>)
    return
  }
}

</mosaic_0001>

<sc_bundles>
// kernel: kernel.3.cloned.1.call-start
scs
__scs_entry_jumppad:
0x0: {  	(pc) =	sbr.rel $0x88, $3  }
0x1: {  	(tag) =	ssettag $0x0;
	lr =	simm.s32 $0x1  }
0x2: {  	[smem:$0x3F9D] =	sst lr;
	_ =	strace $0xD0000000  }
0x3: {  	_ = 	snop  }
0x4: {  	_ = 	snop  }
0x5: {  	_ = 	snop  }
0x6: {  	_ = 	snop  }
0x7: {  	_ = 	snop  }
__scs_overlays_trampoline_lowered:
0x8: {  	[smem:$0x3FAC] =	sst s0  }
0x9: {  	[smem:$0x3FAD] =	sst s1  }
0xa: {  	[smem:$0x3FAE] =	sst s2  }
0xb: {  	[smem:$0x3FAF] =	sst s3  }
0xc: {  	[smem:$0x3FB0] =	sst s4  }
0xd: {  	[smem:$0x3FB1] =	sst s5  }
0xe: {  	[smem:$0x3FB2] =	sst s6  }
0xf: {  	[smem:$0x3FB3] =	sst s7  }
0x10: {  	[smem:$0x3FB4] =	sst s8  }
0x11: {  	[smem:$0x3FB5] =	sst s9;
	s0 =	simm.s32 @!p0 $0x0  }
0x12: {  	s1 =	sld [smem:$0x3F9B];
	s0 =	simm.s32 @p0 $0x1  }
0x13: {  	[smem:$0x3FB6] =	sst s0;
	s0 =	simm.s32 @!p1 $0x0  }
0x14: {  	s2 =	sld [smem:$0x3F9A];
	s0 =	simm.s32 @p1 $0x1  }
0x15: {  	[smem:$0x3FB7] =	sst s0;
	s0 =	simm.s32 @!p2 $0x0  }
0x16: {  	s3 =	sld [smem:$0x3FDB];
	s0 =	simm.s32 @p2 $0x1  }
0x17: {  	s4 =	simm.s32 $0x1BF5;
	[smem:$0x3FB9] =	sst s0  }
0x18: {  	s0 =	sld [smem:$0x3F9C];
	_ =	swait.ge [sflag:s4], $0x0  }
0x19: {  	s7 =	sld [smem:$0x3F9D]  }
0x1a: {  	s8 =	sadd.s32 $0xFFFFE003, lr  }
0x1b: {  	s9 =	sadd.s32 $0xFFFFFEF7, lr;
	s5 =	simm.s32 $0xFFFFFFFF;
	p2 =	slt.u32 s8, $0xFFFFF086  }
0x1c: {  	p1 =	slt.u32 s9, $0xF7A;
	s5 =	simm.s32 @!p2 $0x0  }
0x1d: {  	s5 =	simm.s32 @p1 $0x1;
	p0 =	seq.s32 s7, s2  }
0x1e: {  	s7 =	smul.u32 @!p0 $0xF7A, s2;
	p2 =	seq.s32 @!p0 s5, $0x0  }
0x1f: {  	s9 =	smul.u32 $0xF7A, s1;
	s8 =	simm.s32 @!p0 $0x1BF5;
	p2 =	por !p2, p0  }
0x20: {  	[sflag:s8] =	ssyncset.s32 @!p0 $0xFFFFF086;
	s6 =	sadd.s32 @!p0 s3, s7;
	s7 =	simm.s32 @!p0 $0x108  }
0x21: {  	s3 =	sadd.s32 s3, s9;
	s6 =	sadd.s32 @!p0 $0x88, s6;
	s7 =	simm.s32 @p2 $0x1082  }
0x22: {  	[simem:s7], [sflag:s8] =	dma.local @!p0 [hbm:s6], $0xF7A  }
0x23: {  	s9 =	sor.u32 $0xD0000000, s2;
	s6 =	simm.s32 $0x108;
	_ =	swait.ge @!p0 [sflag:s8], $0x0  }
0x24: {  	s3 =	sadd.s32 $0x88, s3;
	s6 =	simm.s32 @!p1 $0x1082;
	[sflag:s4] =	ssyncset.s32 $0xFFFFF086  }
0x25: {  	[simem:s6], [sflag:s4] =	dma.local [hbm:s3], $0xF7A  }
0x26: {  	[smem:$0x3F9D] =	sst s1;
	(tag) =	ssettag s2;
	_ =	strace s9  }
0x27: {  	s1 =	sld [smem:$0x3FAD]  }
0x28: {  	s2 =	sld [smem:$0x3FAE]  }
0x29: {  	s4 =	sld [smem:$0x3FB0]  }
0x2a: {  	p0 =	seq.s32 s5, $0x0;
	s5 =	sld [smem:$0x3FB1]  }
0x2b: {  	s6 =	sld [smem:$0x3FB2]  }
0x2c: {  	s7 =	sld [smem:$0x3FB3]  }
0x2d: {  	s3 =	simm.s32 $0x108;
	s8 =	sld [smem:$0x3FB4]  }
0x2e: {  	s3 =	simm.s32 @!p0 $0x1082;
	s9 =	sld [smem:$0x3FB5]  }
0x2f: {  	lr =	sadd.s32 s0, s3;
	s0 =	sld [smem:$0x3FAC]  }
0x30: {  	s3 =	sld [smem:$0x3FAF]  }
0x31: {  	[smem:$0x3FB8] =	sst s10  }
0x32: {  	s10 =	sld [smem:$0x3FB6];
	_ =	sdelay $0x3  }
0x33: {  	p0 =	seq.s32 s10, $0x1;
	s10 =	sld [smem:$0x3FB8];
	_ =	sdelay $0x3  }
0x34: {  	[smem:$0x3FB8] =	sst s10  }
0x35: {  	s10 =	sld [smem:$0x3FB7];
	_ =	sdelay $0x3  }
0x36: {  	p1 =	seq.s32 s10, $0x1;
	s10 =	sld [smem:$0x3FB8];
	_ =	sdelay $0x3  }
0x37: {  	[smem:$0x3FB8] =	sst s10  }
0x38: {  	s10 =	sld [smem:$0x3FB9]  }
0x39: {  	_ = 	snop;
	(pc) =	sbr.ind lr, $3  }
0x3a: {  	_ = 	snop  }
0x3b: {  	_ = 	snop  }
0x3c: {  	p2 =	seq.s32 s10, $0x1;
	s10 =	sld [smem:$0x3FB8]  }
0x3d: {  	_ =	shalt  }
0x3e: {  	_ =	shalt  }
0x3f: {  	_ =	shalt  }
0x40: {  	_ =	shalt  }
0x41: {  	_ =	shalt  }
0x42: {  	_ =	shalt  }
0x43: {  	_ =	shalt  }
0x44: {  	_ =	shalt  }
0x45: {  	_ =	shalt  }
0x46: {  	_ =	shalt  }
0x47: {  	_ =	shalt  }
0x48: {  	_ =	shalt  }
0x49: {  	_ =	shalt  }
0x4a: {  	_ =	shalt  }
0x4b: {  	_ =	shalt  }
0x4c: {  	_ =	shalt  }
0x4d: {  	_ =	shalt  }
0x4e: {  	_ =	shalt  }
0x4f: {  	_ =	shalt  }
0x50: {  	_ =	shalt  }
0x51: {  	_ =	shalt  }
0x52: {  	_ =	shalt  }
0x53: {  	_ =	shalt  }
0x54: {  	_ =	shalt  }
0x55: {  	_ =	shalt  }
0x56: {  	_ =	shalt  }
0x57: {  	_ =	shalt  }
0x58: {  	_ =	shalt  }
0x59: {  	_ =	shalt  }
0x5a: {  	_ =	shalt  }
0x5b: {  	_ =	shalt  }
0x5c: {  	_ =	shalt  }
0x5d: {  	_ =	shalt  }
0x5e: {  	_ =	shalt  }
0x5f: {  	_ =	shalt  }
0x60: {  	_ =	shalt  }
0x61: {  	_ =	shalt  }
0x62: {  	_ =	shalt  }
0x63: {  	_ =	shalt  }
0x64: {  	_ =	shalt  }
0x65: {  	_ =	shalt  }
0x66: {  	_ =	shalt  }
0x67: {  	_ =	shalt  }
0x68: {  	_ =	shalt  }
0x69: {  	_ =	shalt  }
0x6a: {  	_ =	shalt  }
0x6b: {  	_ =	shalt  }
0x6c: {  	_ =	shalt  }
0x6d: {  	_ =	shalt  }
0x6e: {  	_ =	shalt  }
0x6f: {  	_ =	shalt  }
0x70: {  	_ =	shalt  }
0x71: {  	_ =	shalt  }
0x72: {  	_ =	shalt  }
0x73: {  	_ =	shalt  }
0x74: {  	_ =	shalt  }
0x75: {  	_ =	shalt  }
0x76: {  	_ =	shalt  }
0x77: {  	_ =	shalt  }
0x78: {  	_ =	shalt  }
0x79: {  	_ =	shalt  }
0x7a: {  	_ =	shalt  }
0x7b: {  	_ =	shalt  }
0x7c: {  	_ =	shalt  }
0x7d: {  	_ =	shalt  }
0x7e: {  	_ =	shalt  }
0x7f: {  	_ =	shalt  }
0x80: {  	_ =	shalt  }
0x81: {  	_ =	shalt  }
0x82: {  	_ =	shalt  }
0x83: {  	_ =	shalt  }
0x84: {  	_ =	shalt  }
0x85: {  	_ =	shalt  }
0x86: {  	_ =	shalt  }
0x87: {  	_ =	shalt  }
.Lfunc_end0:
.L_simem_size_0:
called_computation_lowered:
.L_overlay_start_0:
0x88: {  	s2 =	sld [smem:$0x3FD9]  }
0x89: {  	s3 =	sld [smem:$0x3FFE];
	_ =	sdelay $0x1  }
0x8a: {  	s1 =	srdreg.scid  }
0x8b: {  	s0 =	sand.u32 $0x1, s1  }
0x8c: {  	s14 =	sshll.u32 s0, $0xA;
	s2 =	sadd.s32 s3, s2  }
0x8d: {  	s2 =	sadd.s32 s2, s14  }
0x8e: {  	[smem:$0x3FC4] =	sst s2  }
0x8f: {  	_ = 	snop  }
0x90: {  	s2 =	sld [smem:$0x3FD0];
	_ =	sdelay $0x2  }
0x91: {  	s15 =	simm.s32 $0xA;
	s4 =	simm.s32 $0x10  }
0x92: {  	[smem:s4], [sflag:s15] =	dma.local [hbm:s2], $0x1  }
0x93: {  	_ =	swait.eq [sflag:s15], $0x1  }
0x94: {  	s16 =	sld [smem:$0x10];
	[sflag:s15] =	ssyncset.done $0x0  }
0x95: {  	s17 =	sld [smem:$0x11];
	[sflag:s15] =	ssyncadd.s32 $0xFFFFFFFF  }
0x96: {  	s18 =	sld [smem:$0x12];
	(tm) =	ssettm $0x1  }
0x97: {  	s5 =	sld [smem:$0x3FFB];
	_ =	sdelay $0x3  }
0x98: {  	_ =	strace s5  }
0x99: {  	s5 =	sld [smem:$0x3FFC];
	_ =	sdelay $0x3  }
0x9a: {  	_ =	strace s5  }
0x9b: {  	s5 =	sld [smem:$0x3FFD];
	_ =	sdelay $0x3  }
0x9c: {  	_ =	strace s5  }
0x9d: {  	_ =	strace $0x8FFFFFFF  }
0x9e: {  	s19 =	sld [smem:$0x3FDB];
	_ =	sdelay $0x1  }
0x9f: {  	s6 =	simm.s32 $_scs_section_size  }
0xa0: {  	s7 =	simm.s32 $_size__tile_overlayer_lowered;
	s8 =	simm.s32 $_tile_overlayer_lowered  }
0xa1: {  	s22 =	simm.s32 $0x1BFF;
	s21 =	sshll.u32 s8, $0x1;
	s5 =	sadd.s32 s6, s19  }
0xa2: {  	s9 =	simm.s32 $0x0;
	s20 =	sshll.u32 s7, $0x1;
	s7 =	sadd.s32 s21, s5  }
0xa3: {  	[timem:s9], [sflag:s22] =	dma.local [hbm:s7], s20  }
0xa4: {  	_ =	swait.ge [sflag:s22], s20  }
0xa5: {  	s6 =	ssub.s32 $0x0, s20;
	[sflag:s22] =	ssyncset.done $0x0  }
0xa6: {  	[sflag:s22] =	ssyncadd.s32 s6;
	_ =	sdelay $0x1  }
0xa7: {  	s23 =	simm.s32 $0x1B8B  }
0xa8: {  	_ =	swait.ge [sflag:s23], $0x1  }
0xa9: {  	[sflag:s23] =	ssyncset.done $0x0  }
0xaa: {  	s25 =	simm.s32 $0x1B8E;
	s24 =	sld [smem:$0x3FFE];
	[sflag:s23] =	ssyncadd.s32 $0xFFFFFFFF  }
0xab: {  	s26 =	simm.s32 $execute0_lowered;
	[smem:$0x3FD2] =	sst s25  }
0xac: {  	s7 =	sshll.u32 s26, $0x1;
	_ =	strace $0x80000046;
	[dreg:$0x1] =	wrdreg $0xFFFFFFFF  }
0xad: {  	s28 =	simm.s32 $_size_execute0_lowered;
	s5 =	sadd.s32 s5, s7;
	[dreg:$0x0] =	wrdreg $0x0  }
0xae: {  	s7 =	sshll.u32 s28, $0x1;
	[dreg:$0x2] =	wrdreg s5  }
0xaf: {  	[dreg:$0x3] =	wrdreg s7  }
0xb0: {  	[dreg:$0x4] =	wrdreg $0xC0  }
0xb1: {  	_ =	task [dreg:s9], $0x5FFFF  }
0xb2: {  	[dreg:$0x1] =	wrdreg $0xFFFFFFFF  }
0xb3: {  	[dreg:$0x0] =	wrdreg $0x60  }
0xb4: {  	[dreg:$0x2] =	wrdreg s17  }
0xb5: {  	[dreg:$0x3] =	wrdreg s16  }
0xb6: {  	[dreg:$0x4] =	wrdreg s24  }
0xb7: {  	[dreg:$0x5] =	wrdreg s18  }
0xb8: {  	[dreg:$0x6] =	wrdreg $0x9  }
0xb9: {  	_ =	task.clear_ibuf [dreg:s9], $0x7FFFF;
	_ =	strace $0x90000046  }
0xba: {  	s29 =	simm.s32 $0x9;
	_ =	strace $0x80000048  }
0xbb: {  	_ =	swait.ge [sflag:s29], $0x1  }
0xbc: {  	[sflag:s29] =	ssyncadd.s32 $0xFFFFFFFF  }
0xbd: {  	_ =	strace $0x90000048  }
0xbe: {  	_ =	sfence  }
0xbf: {  	s30 =	sld [smem:$0x0];
	_ =	sdelay $0x2  }
0xc0: {  	s31 =	sshll.u32 s1, $0xD;
	s1 =	sshrl.u32 s1, $0x2  }
0xc1: {  	s3 =	sand.u32 $0x4000, s31;
	s1 =	sadd.s32 s1, s30  }
0xc2: {  	s0 =	sor.u32 s3, s0;
	s1 =	sshll.u32 s1, $0x11  }
0xc3: {  	s0 =	sor.u32 s1, s0  }
0xc4: {  	s0 =	sadd.s32 $0x8F2B, s0  }
0xc5: {  	[sflag:s0] =	ssyncadd.remote.s32 $0x1  }
0xc6: {  	_ =	sfence.sel $0xFFFF  }
0xc7: {  	[dreg:$0x0] =	wrdreg $0xFFFFFFFF;
	(pc) =	sbr.abs _section_cstart, $3  }
0xc8: {  	[dreg:$0x1] =	wrdreg $0xFFFFFFFF  }
0xc9: {  	_ =	task.clear_ibuf [dreg:s9], $0x2FFFF;
	_ =	strace $0x9FFFFFFF  }
0xca: {  	(tm) =	ssettm $0x7FFFFFFF  }
0xcb: {  	_ =	shalt  }
tec
execute0_lowered:
.L_overlay_start_1:
0x0: {  	(tag) =	ssettag $0x1  }
0x1: {  	s0 =	rddreg [dreg:$0x0]  }
0x2: {  	s1 =	rddreg [dreg:$0x2]  }
0x3: {  	s2 =	rddreg [dreg:$0x3];
	s3 =	simm.s32 $0x0  }
0x4: {  	s4 =	srdreg.scid;
	s5 =	stileid.u32;
	s11 =	simm.s32 $0x600  }
0x5: {  	s12 =	simm.s32 $0x1;
	s13 =	simm.s32 $0x200;
	s14 =	simm.s32 $0x4000  }
0x6: {  	s16 =	simm.s32 $0x3600;
	s17 =	simm.s32 $0x4600;
	s18 =	simm.s32 $0x2  }
0x7: {  	s19 =	simm.s32 $0x0;
	[smem:$0x7FF] =	sst s3;
	s4 =	sand.u32 $0x1, s4  }
0x8: {  	s5 =	sshll.u32 s5, $0x7;
	s6 =	sshll.u32 s4, $0x6;
	s4 =	ssub.s32 $0x2, s4  }
0x9: {  	_ =	strace $0x80000047;
	s8 =	sor.u32 s6, s5;
	s31 =	sshrl.u32 s4, $0x1  }
0xa: {  	s1 =	sadd.s32 s8, s1;
	s10 =	ssub.s32 s4, s31;
	s4 =	sadd.s32 s0, s8  }
0xb: {  	s8 =	sadd.s32 s2, s8;
	s5 =	sadd.s32 $0x800, s4;
	s6 =	sadd.s32 $0x1000, s4  }
0xc: {  	s7 =	sadd.s32 $0x800, s1;
	s9 =	sadd.s32 $0x8800, s1;
	s10 =	smax.u32 s10, $0x1  }
.LBB2_1:
0xd: {  	[tilespmem:s3], [sflag:$0x1] =	stream.linear.gather [hbm4b:s4+s3], $0x200, $0x38;
	[tilespmem:$0x5600] =	vst v63  }
0xe: {  	_ = 	snop  }
0xf: {  	[tilespmem:s13], [sflag:$0x1] =	stream.linear.gather [hbm4b:s5+s3], $0x200, $0x38;
	[tilespmem:$0x5600] =	vst v63  }
0x10: {  	s20 =	simm.s32 $0x400  }
0x11: {  	[tilespmem:s20], [sflag:$0x1] =	stream.linear.gather [hbm4b:s6+s3], $0x200, $0x38;
	[tilespmem:$0x5600] =	vst v63  }
0x12: {  	s0 =	rddreg [dreg:$0x1]  }
0x13: {  	[tilespmem:s11], [sflag:$0x1] =	stream.linear.gather [hbm4b:s0+s3], $0x1000, $0x38;
	[tilespmem:$0x5600] =	vst v63  }
0x14: {  	_ =	swait.ge [sflag:s12], $0x200  }
0x15: {  	[sflag:s12] =	ssyncset.done $0x0  }
0x16: {  	[sflag:s12] =	ssyncadd.s32 $0xFFFFFE00  }
0x17: {  	_ =	swait.ge [sflag:s12], $0x200  }
0x18: {  	[sflag:s12] =	ssyncset.done $0x0  }
0x19: {  	[sflag:s12] =	ssyncadd.s32 $0xFFFFFE00  }
0x1a: {  	_ =	swait.ge [sflag:s12], $0x200  }
0x1b: {  	[sflag:s12] =	ssyncset.done $0x0  }
0x1c: {  	[sflag:s12] =	ssyncadd.s32 $0xFFFFFE00  }
0x1d: {  	s21 =	simm.s32 $0x3400;
	s22 =	simm.s32 $0x3E00;
	_ =	swait.ge [sflag:s12], $0x1000  }
0x1e: {  	s23 =	simm.s32 $0x5000;
	s24 =	simm.s32 $0x200;
	[sflag:s12] =	ssyncset.done $0x0  }
0x1f: {  	s25 =	simm.s32 $0x0;
	s26 =	simm.s32 $0x0;
	[sflag:s12] =	ssyncadd.s32 $0xFFFFF000  }
.LBB2_2:
0x20: {  	v10 =	vmov s25;
	_ =	sdelay $0x3  }
0x21: {  	s28 =	simm.s32 $0x0  }
0x22: {  	v3 =	vld.idx.msk [tilespmem:v10+s28+$0x0 ss:$0x1], $0xffff;
	_ =	sdelay $0x6  }
0x23: {  	v11 =	vmov s20  }
0x24: {  	v12 =	vmov s24;
	v4 =	vmov s21;
	v1 =	vld.idx.msk [tilespmem:v3+s11+$0x0], $0xffff  }
0x25: {  	v2 =	vadd.s32 $0x80, v3;
	_ =	sdelay $0x2  }
0x26: {  	v0 =	vld.idx.msk [tilespmem:v11+s28+$0x0 ss:$0x1], $0xffff  }
0x27: {  	v9 =	vld.idx.msk [tilespmem:v12+s28+$0x0 ss:$0x1], $0xffff;
	[tilespmem:v4+s28+$0xFFFFE200 ss:$0x1] =	vst.idx.msk $0xffff, v1  }
0x28: {  	v1 =	vld.idx.msk [tilespmem:v2+s11+$0x0], $0xffff  }
0x29: {  	v2 =	vadd.s32 $0x100, v3;
	_ =	sdelay $0x3  }
0x2a: {  	[tilespmem:v4+s28+$0xFFFFE400 ss:$0x1] =	vst.idx.msk $0xffff, v1  }
0x2b: {  	v1 =	vld.idx.msk [tilespmem:v2+s11+$0x0], $0xffff  }
0x2c: {  	v2 =	vadd.s32 $0x180, v3;
	_ =	sdelay $0x3  }
0x2d: {  	[tilespmem:v4+s28+$0xFFFFE600 ss:$0x1] =	vst.idx.msk $0xffff, v1  }
0x2e: {  	v1 =	vld.idx.msk [tilespmem:v2+s11+$0x0], $0xffff  }
0x2f: {  	v2 =	vadd.s32 $0x200, v3  }
0x30: {  	s29 =	simm.s32 $0x10  }
0x31: {  	v13 =	vld.idx.msk [tilespmem:v10+s29+$0x0 ss:$0x1], $0xffff;
	_ =	sdelay $0x1  }
0x32: {  	[tilespmem:v4+s28+$0xFFFFE800 ss:$0x1] =	vst.idx.msk $0xffff, v1  }
0x33: {  	v1 =	vld.idx.msk [tilespmem:v2+s11+$0x0], $0xffff  }
0x34: {  	v2 =	vadd.s32 $0x280, v3;
	_ =	sdelay $0x3  }
0x35: {  	v5 =	vld.idx.msk [tilespmem:v13+s11+$0x0], $0xffff;
	[tilespmem:v4+s28+$0xFFFFEA00 ss:$0x1] =	vst.idx.msk $0xffff, v1  }
0x36: {  	v6 =	vadd.s32 $0x80, v13;
	v2 =	vld.idx.msk [tilespmem:v2+s11+$0x0], $0xffff  }
0x37: {  	v7 =	vadd.s32 $0x300, v3;
	_ =	sdelay $0x1  }
0x38: {  	v19 =	vld.idx.msk [tilespmem:v12+s29+$0x0 ss:$0x1], $0xffff  }
0x39: {  	v1 =	vld.idx.msk [tilespmem:v11+s29+$0x0 ss:$0x1], $0xffff;
	[tilespmem:v4+s29+$0xFFFFE200 ss:$0x1] =	vst.idx.msk $0xffff, v5  }
0x3a: {  	v5 =	vld.idx.msk [tilespmem:v6+s11+$0x0], $0xffff;
	[tilespmem:v4+s28+$0xFFFFEC00 ss:$0x1] =	vst.idx.msk $0xffff, v2  }
0x3b: {  	v6 =	vadd.s32 $0x100, v13;
	v2 =	vld.idx.msk [tilespmem:v7+s11+$0x0], $0xffff  }
0x3c: {  	v7 =	vadd.s32 $0x380, v3;
	_ =	sdelay $0x2  }
0x3d: {  	[tilespmem:v4+s29+$0xFFFFE400 ss:$0x1] =	vst.idx.msk $0xffff, v5  }
0x3e: {  	v5 =	vld.idx.msk [tilespmem:v6+s11+$0x0], $0xffff;
	[tilespmem:v4+s28+$0xFFFFEE00 ss:$0x1] =	vst.idx.msk $0xffff, v2  }
0x3f: {  	v6 =	vadd.s32 $0x180, v13;
	v2 =	vld.idx.msk [tilespmem:v7+s11+$0x0], $0xffff  }
0x40: {  	v7 =	vadd.s32 $0x400, v3;
	_ =	sdelay $0x2  }
0x41: {  	[tilespmem:v4+s29+$0xFFFFE600 ss:$0x1] =	vst.idx.msk $0xffff, v5  }
0x42: {  	v5 =	vld.idx.msk [tilespmem:v6+s11+$0x0], $0xffff;
	[tilespmem:v4+s28+$0xFFFFF000 ss:$0x1] =	vst.idx.msk $0xffff, v2  }
0x43: {  	v6 =	vadd.s32 $0x200, v13;
	v2 =	vld.idx.msk [tilespmem:v7+s11+$0x0], $0xffff  }
0x44: {  	s30 =	simm.s32 $0x20;
	v7 =	vadd.s32 $0x480, v3  }
0x45: {  	v17 =	vld.idx.msk [tilespmem:v10+s30+$0x0 ss:$0x1], $0xffff;
	_ =	sdelay $0x1  }
0x46: {  	[tilespmem:v4+s29+$0xFFFFE800 ss:$0x1] =	vst.idx.msk $0xffff, v5  }
0x47: {  	v5 =	vld.idx.msk [tilespmem:v6+s11+$0x0], $0xffff;
	[tilespmem:v4+s28+$0xFFFFF200 ss:$0x1] =	vst.idx.msk $0xffff, v2  }
0x48: {  	v6 =	vadd.s32 $0x280, v13;
	v2 =	vld.idx.msk [tilespmem:v7+s11+$0x0], $0xffff  }
0x49: {  	v7 =	vadd.s32 $0x500, v3;
	_ =	sdelay $0x2  }
0x4a: {  	v8 =	vld.idx.msk [tilespmem:v17+s11+$0x0], $0xffff;
	[tilespmem:v4+s29+$0xFFFFEA00 ss:$0x1] =	vst.idx.msk $0xffff, v5  }
0x4b: {  	v14 =	vadd.s32 $0x80, v17;
	v6 =	vld.idx.msk [tilespmem:v6+s11+$0x0], $0xffff;
	[tilespmem:v4+s28+$0xFFFFF400 ss:$0x1] =	vst.idx.msk $0xffff, v2  }
0x4c: {  	v15 =	vadd.s32 $0x300, v13;
	v7 =	vld.idx.msk [tilespmem:v7+s11+$0x0], $0xffff  }
0x4d: {  	v16 =	vadd.s32 $0x580, v3  }
0x4e: {  	v5 =	vld.idx.msk [tilespmem:v12+s30+$0x0 ss:$0x1], $0xffff  }
0x4f: {  	v2 =	vld.idx.msk [tilespmem:v11+s30+$0x0 ss:$0x1], $0xffff;
	[tilespmem:v4+s30+$0xFFFFE200 ss:$0x1] =	vst.idx.msk $0xffff, v8  }
0x50: {  	[tilespmem:v4+s29+$0xFFFFEC00 ss:$0x1] =	vst.idx.msk $0xffff, v6;
	v8 =	vld.idx.msk [tilespmem:v14+s11+$0x0], $0xffff  }
0x51: {  	v6 =	vld.idx.msk [tilespmem:v15+s11+$0x0], $0xffff;
	[tilespmem:v4+s28+$0xFFFFF600 ss:$0x1] =	vst.idx.msk $0xffff, v7;
	v7 =	vadd.s32 $0x100, v17  }
0x52: {  	v15 =	vadd.s32 $0x380, v13;
	v14 =	vld.idx.msk [tilespmem:v16+s11+$0x0], $0xffff  }
0x53: {  	v16 =	vadd.s32 $0x600, v3;
	_ =	sdelay $0x1  }
0x54: {  	[tilespmem:v4+s30+$0xFFFFE400 ss:$0x1] =	vst.idx.msk $0xffff, v8  }
0x55: {  	[tilespmem:v4+s29+$0xFFFFEE00 ss:$0x1] =	vst.idx.msk $0xffff, v6;
	v7 =	vld.idx.msk [tilespmem:v7+s11+$0x0], $0xffff  }
0x56: {  	v8 =	vadd.s32 $0x180, v17;
	v6 =	vld.idx.msk [tilespmem:v15+s11+$0x0], $0xffff;
	[tilespmem:v4+s28+$0xFFFFF800 ss:$0x1] =	vst.idx.msk $0xffff, v14  }
0x57: {  	v15 =	vadd.s32 $0x400, v13;
	v14 =	vld.idx.msk [tilespmem:v16+s11+$0x0], $0xffff  }
0x58: {  	v16 =	vadd.s32 $0x680, v3;
	_ =	sdelay $0x1  }
0x59: {  	[tilespmem:v4+s30+$0xFFFFE600 ss:$0x1] =	vst.idx.msk $0xffff, v7  }
0x5a: {  	[tilespmem:v4+s29+$0xFFFFF000 ss:$0x1] =	vst.idx.msk $0xffff, v6;
	v7 =	vld.idx.msk [tilespmem:v8+s11+$0x0], $0xffff  }
0x5b: {  	v6 =	vld.idx.msk [tilespmem:v15+s11+$0x0], $0xffff;
	v8 =	vadd.s32 $0x200, v17;
	[tilespmem:v4+s28+$0xFFFFFA00 ss:$0x1] =	vst.idx.msk $0xffff, v14  }
0x5c: {  	s31 =	simm.s32 $0x30;
	v14 =	vld.idx.msk [tilespmem:v16+s11+$0x0], $0xffff;
	v16 =	vadd.s32 $0x480, v13  }
0x5d: {  	v18 =	vadd.s32 $0x700, v3;
	v15 =	vld.idx.msk [tilespmem:v10+s31+$0x0 ss:$0x1], $0xffff;
	_ =	sdelay $0x1  }
0x5e: {  	[tilespmem:v4+s30+$0xFFFFE800 ss:$0x1] =	vst.idx.msk $0xffff, v7  }
0x5f: {  	[tilespmem:v4+s29+$0xFFFFF200 ss:$0x1] =	vst.idx.msk $0xffff, v6;
	v7 =	vld.idx.msk [tilespmem:v8+s11+$0x0], $0xffff  }
0x60: {  	v8 =	vadd.s32 $0x280, v17;
	v6 =	vld.idx.msk [tilespmem:v16+s11+$0x0], $0xffff;
	[tilespmem:v4+s28+$0xFFFFFC00 ss:$0x1] =	vst.idx.msk $0xffff, v14  }
0x61: {  	v16 =	vadd.s32 $0x500, v13;
	v14 =	vld.idx.msk [tilespmem:v18+s11+$0x0], $0xffff;
	_ =	sdelay $0x1  }
0x62: {  	v18 =	vadd.s32 $0x780, v3  }
0x63: {  	[tilespmem:v4+s30+$0xFFFFEA00 ss:$0x1] =	vst.idx.msk $0xffff, v7;
	v7 =	vld.idx.msk [tilespmem:v15+s11+$0x0], $0xffff  }
0x64: {  	v20 =	vadd.s32 $0x80, v15;
	[tilespmem:v4+s29+$0xFFFFF400 ss:$0x1] =	vst.idx.msk $0xffff, v6;
	v6 =	vld.idx.msk [tilespmem:v8+s11+$0x0], $0xffff  }
0x65: {  	[tilespmem:v4+s28+$0xFFFFFE00 ss:$0x1] =	vst.idx.msk $0xffff, v14;
	v14 =	vld.idx.msk [tilespmem:v16+s11+$0x0], $0xffff;
	v16 =	vadd.s32 $0x300, v17  }
0x66: {  	v21 =	vadd.s32 $0x580, v13;
	v3 =	vld.idx.msk [tilespmem:v11+s31+$0x0 ss:$0x1], $0xffff  }
0x67: {  	v18 =	vld.idx.msk [tilespmem:v18+s11+$0x0], $0xffff  }
0x68: {  	v22 =	vadd.s32 $0x800, v9;
	v8 =	vld.idx.msk [tilespmem:v12+s31+$0x0 ss:$0x1], $0xffff;
	[tilespmem:v4+s31+$0xFFFFE200 ss:$0x1] =	vst.idx.msk $0xffff, v7  }
0x69: {  	v20 =	vld.idx.msk [tilespmem:v20+s11+$0x0], $0xffff;
	[tilespmem:v4+s30+$0xFFFFEC00 ss:$0x1] =	vst.idx.msk $0xffff, v6  }
0x6a: {  	v6 =	vld.idx.msk [tilespmem:v16+s11+$0x0], $0xffff;
	[tilespmem:v4+s29+$0xFFFFF600 ss:$0x1] =	vst.idx.msk $0xffff, v14;
	v14 =	vadd.s32 $0x100, v15  }
0x6b: {  	v16 =	vld.idx.msk [tilespmem:v21+s11+$0x0], $0xffff;
	v21 =	vadd.s32 $0x380, v17  }
0x6c: {  	[tilespmem:v4+s28+$0x0 ss:$0x1] =	vst.idx.msk $0xffff, v18;
	v18 =	vadd.s32 $0x600, v13  }
0x6d: {  	v7 =	vmov s22;
	v22 =	vld.idx.msk [tilespmem:v22+s11+$0x0], $0xffff  }
0x6e: {  	v23 =	vadd.s32 $0x880, v9;
	[tilespmem:v4+s31+$0xFFFFE400 ss:$0x1] =	vst.idx.msk $0xffff, v20  }
0x6f: {  	v14 =	vld.idx.msk [tilespmem:v14+s11+$0x0], $0xffff;
	[tilespmem:v4+s30+$0xFFFFEE00 ss:$0x1] =	vst.idx.msk $0xffff, v6  }
0x70: {  	v6 =	vld.idx.msk [tilespmem:v21+s11+$0x0], $0xffff;
	[tilespmem:v4+s29+$0xFFFFF800 ss:$0x1] =	vst.idx.msk $0xffff, v16;
	v16 =	vadd.s32 $0x180, v15  }
0x71: {  	v20 =	vadd.s32 $0x400, v17;
	v18 =	vld.idx.msk [tilespmem:v18+s11+$0x0], $0xffff  }
0x72: {  	v21 =	vadd.s32 $0x680, v13;
	[tilespmem:v7+s28+$0xFFFFF800 ss:$0x1] =	vst.idx.msk $0xffff, v22  }
0x73: {  	v22 =	vld.idx.msk [tilespmem:v23+s11+$0x0], $0xffff  }
0x74: {  	v23 =	vadd.s32 $0x900, v9;
	[tilespmem:v4+s31+$0xFFFFE600 ss:$0x1] =	vst.idx.msk $0xffff, v14  }
0x75: {  	v14 =	vld.idx.msk [tilespmem:v16+s11+$0x0], $0xffff;
	[tilespmem:v4+s30+$0xFFFFF000 ss:$0x1] =	vst.idx.msk $0xffff, v6  }
0x76: {  	v6 =	vld.idx.msk [tilespmem:v20+s11+$0x0], $0xffff;
	[tilespmem:v4+s29+$0xFFFFFA00 ss:$0x1] =	vst.idx.msk $0xffff, v18;
	v18 =	vadd.s32 $0x200, v15  }
0x77: {  	s0 =	simm.s32 $0x40;
	v20 =	vld.idx.msk [tilespmem:v21+s11+$0x0], $0xffff;
	v21 =	vadd.s32 $0x480, v17  }
0x78: {  	v16 =	vld.idx.msk [tilespmem:v10+s0+$0x0 ss:$0x1], $0xffff;
	[tilespmem:v7+s28+$0xFFFFFA00 ss:$0x1] =	vst.idx.msk $0xffff, v22;
	v22 =	vadd.s32 $0x700, v13  }
0x79: {  	v23 =	vld.idx.msk [tilespmem:v23+s11+$0x0], $0xffff  }
0x7a: {  	[tilespmem:v4+s31+$0xFFFFE800 ss:$0x1] =	vst.idx.msk $0xffff, v14;
	v14 =	vadd.s32 $0x980, v9  }
0x7b: {  	v18 =	vld.idx.msk [tilespmem:v18+s11+$0x0], $0xffff;
	[tilespmem:v4+s30+$0xFFFFF200 ss:$0x1] =	vst.idx.msk $0xffff, v6  }
0x7c: {  	v21 =	vld.idx.msk [tilespmem:v21+s11+$0x0], $0xffff;
	[tilespmem:v4+s29+$0xFFFFFC00 ss:$0x1] =	vst.idx.msk $0xffff, v20;
	v20 =	vadd.s32 $0x280, v15  }
0x7d: {  	v24 =	vadd.s32 $0x500, v17;
	v22 =	vld.idx.msk [tilespmem:v22+s11+$0x0], $0xffff  }
0x7e: {  	v13 =	vadd.s32 $0x780, v13;
	v6 =	vld.idx.msk [tilespmem:v11+s0+$0x0 ss:$0x1], $0xffff;
	[tilespmem:v7+s28+$0xFFFFFC00 ss:$0x1] =	vst.idx.msk $0xffff, v23  }
0x7f: {  	v14 =	vld.idx.msk [tilespmem:v14+s11+$0x0], $0xffff  }
0x80: {  	v23 =	vld.idx.msk [tilespmem:v16+s11+$0x0], $0xffff;
	[tilespmem:v4+s31+$0xFFFFEA00 ss:$0x1] =	vst.idx.msk $0xffff, v18;
	v18 =	vadd.s32 $0xA00, v9  }
0x81: {  	[tilespmem:v4+s30+$0xFFFFF400 ss:$0x1] =	vst.idx.msk $0xffff, v21;
	v20 =	vld.idx.msk [tilespmem:v20+s11+$0x0], $0xffff;
	v21 =	vadd.s32 $0x80, v16  }
0x82: {  	[tilespmem:v4+s29+$0xFFFFFE00 ss:$0x1] =	vst.idx.msk $0xffff, v22;
	v22 =	vld.idx.msk [tilespmem:v24+s11+$0x0], $0xffff;
	v24 =	vadd.s32 $0x300, v15  }
0x83: {  	v25 =	vadd.s32 $0x580, v17;
	v13 =	vld.idx.msk [tilespmem:v13+s11+$0x0], $0xffff  }
0x84: {  	v26 =	vadd.s32 $0x800, v19;
	[tilespmem:v7+s28+$0xFFFFFE00 ss:$0x1] =	vst.idx.msk $0xffff, v14;
	v14 =	vld.idx.msk [tilespmem:v12+s0+$0x0 ss:$0x1], $0xffff  }
0x85: {  	[tilespmem:v4+s0+$0xFFFFE200 ss:$0x1] =	vst.idx.msk $0xffff, v23;
	v18 =	vld.idx.msk [tilespmem:v18+s11+$0x0], $0xffff  }
0x86: {  	v23 =	vadd.s32 $0xA80, v9;
	v21 =	vld.idx.msk [tilespmem:v21+s11+$0x0], $0xffff;
	[tilespmem:v4+s31+$0xFFFFEC00 ss:$0x1] =	vst.idx.msk $0xffff, v20  }
0x87: {  	v20 =	vld.idx.msk [tilespmem:v24+s11+$0x0], $0xffff;
	[tilespmem:v4+s30+$0xFFFFF600 ss:$0x1] =	vst.idx.msk $0xffff, v22;
	v22 =	vadd.s32 $0x100, v16  }
0x88: {  	v24 =	vld.idx.msk [tilespmem:v25+s11+$0x0], $0xffff;
	[tilespmem:v4+s29+$0x0 ss:$0x1] =	vst.idx.msk $0xffff, v13;
	v13 =	vadd.s32 $0x380, v15  }
0x89: {  	v25 =	vld.idx.msk [tilespmem:v26+s11+$0x0], $0xffff;
	v26 =	vadd.s32 $0x600, v17  }
0x8a: {  	[tilespmem:v7+s28+$0x0 ss:$0x1] =	vst.idx.msk $0xffff, v18  }
0x8b: {  	v18 =	vadd.s32 $0x880, v19;
	v23 =	vld.idx.msk [tilespmem:v23+s11+$0x0], $0xffff;
	[tilespmem:v4+s0+$0xFFFFE400 ss:$0x1] =	vst.idx.msk $0xffff, v21  }
0x8c: {  	v21 =	vadd.s32 $0xB00, v9;
	v22 =	vld.idx.msk [tilespmem:v22+s11+$0x0], $0xffff;
	[tilespmem:v4+s31+$0xFFFFEE00 ss:$0x1] =	vst.idx.msk $0xffff, v20  }
0x8d: {  	v20 =	vadd.s32 $0x180, v16;
	v13 =	vld.idx.msk [tilespmem:v13+s11+$0x0], $0xffff;
	[tilespmem:v4+s30+$0xFFFFF800 ss:$0x1] =	vst.idx.msk $0xffff, v24  }
0x8e: {  	v24 =	vld.idx.msk [tilespmem:v26+s11+$0x0], $0xffff;
	[tilespmem:v7+s29+$0xFFFFF800 ss:$0x1] =	vst.idx.msk $0xffff, v25;
	v25 =	vadd.s32 $0x400, v15  }
0x8f: {  	v26 =	vadd.s32 $0x680, v17  }
0x90: {  	v18 =	vld.idx.msk [tilespmem:v18+s11+$0x0], $0xffff;
	[tilespmem:v7+s28+$0x200 ss:$0x1] =	vst.idx.msk $0xffff, v23  }
0x91: {  	v23 =	vadd.s32 $0x900, v19;
	v21 =	vld.idx.msk [tilespmem:v21+s11+$0x0], $0xffff;
	[tilespmem:v4+s0+$0xFFFFE600 ss:$0x1] =	vst.idx.msk $0xffff, v22  }
0x92: {  	v9 =	vadd.s32 $0xB80, v9;
	v20 =	vld.idx.msk [tilespmem:v20+s11+$0x0], $0xffff;
	[tilespmem:v4+s31+$0xFFFFF000 ss:$0x1] =	vst.idx.msk $0xffff, v13  }
0x93: {  	v22 =	vadd.s32 $0x200, v16;
	v13 =	vld.idx.msk [tilespmem:v25+s11+$0x0], $0xffff;
	[tilespmem:v4+s30+$0xFFFFFA00 ss:$0x1] =	vst.idx.msk $0xffff, v24  }
0x94: {  	s2 =	simm.s32 $0x50;
	v25 =	vadd.s32 $0x480, v15;
	v24 =	vld.idx.msk [tilespmem:v26+s11+$0x0], $0xffff  }
0x95: {  	[tilespmem:v7+s29+$0xFFFFFA00 ss:$0x1] =	vst.idx.msk $0xffff, v18;
	v26 =	vadd.s32 $0x700, v17;
	v18 =	vld.idx.msk [tilespmem:v10+s2+$0x0 ss:$0x1], $0xffff  }
0x96: {  	v23 =	vld.idx.msk [tilespmem:v23+s11+$0x0], $0xffff;
	[tilespmem:v7+s28+$0x400 ss:$0x1] =	vst.idx.msk $0xffff, v21  }
0x97: {  	v9 =	vld.idx.msk [tilespmem:v9+s11+$0x0], $0xffff;
	[tilespmem:v4+s0+$0xFFFFE800 ss:$0x1] =	vst.idx.msk $0xffff, v20;
	v20 =	vadd.s32 $0x980, v19  }
0x98: {  	v21 =	vld.idx.msk [tilespmem:v22+s11+$0x0], $0xffff;
	[tilespmem:v4+s31+$0xFFFFF200 ss:$0x1] =	vst.idx.msk $0xffff, v13;
	v22 =	vadd.s32 $0xC00, v0  }
0x99: {  	v25 =	vld.idx.msk [tilespmem:v25+s11+$0x0], $0xffff;
	[tilespmem:v4+s30+$0xFFFFFC00 ss:$0x1] =	vst.idx.msk $0xffff, v24  }
0x9a: {  	v24 =	vld.idx.msk [tilespmem:v26+s11+$0x0], $0xffff;
	v26 =	vadd.s32 $0x280, v16  }
0x9b: {  	v13 =	vld.idx.msk [tilespmem:v11+s2+$0x0 ss:$0x1], $0xffff;
	[tilespmem:v7+s29+$0xFFFFFC00 ss:$0x1] =	vst.idx.msk $0xffff, v23;
	v23 =	vadd.s32 $0x500, v15  }
0x9c: {  	v17 =	vadd.s32 $0x780, v17;
	[tilespmem:v7+s28+$0x600 ss:$0x1] =	vst.idx.msk $0xffff, v9;
	v20 =	vld.idx.msk [tilespmem:v20+s11+$0x0], $0xffff  }
0x9d: {  	v22 =	vld.idx.msk [tilespmem:v22+s11+$0x0], $0xffff  }
0x9e: {  	v27 =	vadd.s32 $0xA00, v19;
	v9 =	vmov s23;
	[tilespmem:v4+s0+$0xFFFFEA00 ss:$0x1] =	vst.idx.msk $0xffff, v21;
	v21 =	vld.idx.msk [tilespmem:v18+s11+$0x0], $0xffff  }
0x9f: {  	[tilespmem:v4+s31+$0xFFFFF400 ss:$0x1] =	vst.idx.msk $0xffff, v25;
	v25 =	vld.idx.msk [tilespmem:v26+s11+$0x0], $0xffff;
	v26 =	vadd.s32 $0xC80, v0  }
0xa0: {  	[tilespmem:v4+s30+$0xFFFFFE00 ss:$0x1] =	vst.idx.msk $0xffff, v24;
	v24 =	vadd.s32 $0x80, v18;
	v23 =	vld.idx.msk [tilespmem:v23+s11+$0x0], $0xffff  }
0xa1: {  	v28 =	vadd.s32 $0x300, v16;
	v29 =	vld.idx.msk [tilespmem:v17+s11+$0x0], $0xffff  }
0xa2: {  	v17 =	vld.idx.msk [tilespmem:v12+s2+$0x0 ss:$0x1], $0xffff;
	[tilespmem:v7+s29+$0xFFFFFE00 ss:$0x1] =	vst.idx.msk $0xffff, v20;
	v20 =	vadd.s32 $0x580, v15  }
0xa3: {  	v27 =	vld.idx.msk [tilespmem:v27+s11+$0x0], $0xffff;
	[tilespmem:v9+s28+$0xFFFFF600 ss:$0x1] =	vst.idx.msk $0xffff, v22;
	v22 =	vadd.s32 $0x800, v5  }
0xa4: {  	[tilespmem:v4+s2+$0xFFFFE200 ss:$0x1] =	vst.idx.msk $0xffff, v21;
	v21 =	vadd.s32 $0xA80, v19;
	v26 =	vld.idx.msk [tilespmem:v26+s11+$0x0], $0xffff  }
0xa5: {  	v24 =	vld.idx.msk [tilespmem:v24+s11+$0x0], $0xffff;
	[tilespmem:v4+s0+$0xFFFFEC00 ss:$0x1] =	vst.idx.msk $0xffff, v25;
	v25 =	vadd.s32 $0xD00, v0  }
0xa6: {  	[tilespmem:v4+s31+$0xFFFFF600 ss:$0x1] =	vst.idx.msk $0xffff, v23;
	v23 =	vadd.s32 $0x100, v18;
	v28 =	vld.idx.msk [tilespmem:v28+s11+$0x0], $0xffff  }
0xa7: {  	[tilespmem:v4+s30+$0x0 ss:$0x1] =	vst.idx.msk $0xffff, v29;
	v29 =	vadd.s32 $0x380, v16;
	v20 =	vld.idx.msk [tilespmem:v20+s11+$0x0], $0xffff  }
0xa8: {  	v22 =	vld.idx.msk [tilespmem:v22+s11+$0x0], $0xffff;
	[tilespmem:v7+s29+$0x0 ss:$0x1] =	vst.idx.msk $0xffff, v27;
	v27 =	vadd.s32 $0x600, v15  }
0xa9: {  	v30 =	vadd.s32 $0x880, v5;
	v21 =	vld.idx.msk [tilespmem:v21+s11+$0x0], $0xffff;
	[tilespmem:v9+s28+$0xFFFFF800 ss:$0x1] =	vst.idx.msk $0xffff, v26  }
0xaa: {  	[tilespmem:v4+s2+$0xFFFFE400 ss:$0x1] =	vst.idx.msk $0xffff, v24;
	v24 =	vadd.s32 $0xB00, v19;
	v25 =	vld.idx.msk [tilespmem:v25+s11+$0x0], $0xffff  }
0xab: {  	v26 =	vadd.s32 $0xD80, v0;
	v23 =	vld.idx.msk [tilespmem:v23+s11+$0x0], $0xffff;
	[tilespmem:v4+s0+$0xFFFFEE00 ss:$0x1] =	vst.idx.msk $0xffff, v28  }
0xac: {  	v28 =	vld.idx.msk [tilespmem:v29+s11+$0x0], $0xffff;
	[tilespmem:v4+s31+$0xFFFFF800 ss:$0x1] =	vst.idx.msk $0xffff, v20;
	v20 =	vadd.s32 $0x180, v18  }
0xad: {  	v27 =	vld.idx.msk [tilespmem:v27+s11+$0x0], $0xffff;
	[tilespmem:v7+s30+$0xFFFFF800 ss:$0x1] =	vst.idx.msk $0xffff, v22;
	v22 =	vadd.s32 $0x400, v16  }
0xae: {  	v29 =	vld.idx.msk [tilespmem:v30+s11+$0x0], $0xffff;
	[tilespmem:v7+s29+$0x200 ss:$0x1] =	vst.idx.msk $0xffff, v21;
	v21 =	vadd.s32 $0x680, v15  }
0xaf: {  	v31 =	vadd.s32 $0x900, v5;
	v63 =	vld.idx.msk [tilespmem:v24+s11+$0x0], $0xffff;
	[tilespmem:v9+s28+$0xFFFFFA00 ss:$0x1] =	vst.idx.msk $0xffff, v25  }
0xb0: {  	v32 =	vadd.s32 $0xB80, v19;
	[tilespmem:v4+s2+$0xFFFFE600 ss:$0x1] =	vst.idx.msk $0xffff, v23;
	v19 =	vld.idx.msk [tilespmem:v26+s11+$0x0], $0xffff  }
0xb1: {  	v26 =	vld.idx.msk [tilespmem:v20+s11+$0x0], $0xffff;
	[tilespmem:v4+s0+$0xFFFFF000 ss:$0x1] =	vst.idx.msk $0xffff, v28  }
0xb2: {  	v24 =	vld.idx.msk [tilespmem:v22+s11+$0x0], $0xffff;
	[tilespmem:v4+s31+$0xFFFFFA00 ss:$0x1] =	vst.idx.msk $0xffff, v27  }
0xb3: {  	v27 =	vadd.s32 $0x200, v18;
	v22 =	vld.idx.msk [tilespmem:v21+s11+$0x0], $0xffff;
	[tilespmem:v7+s30+$0xFFFFFA00 ss:$0x1] =	vst.idx.msk $0xffff, v29  }
0xb4: {  	v25 =	vadd.s32 $0x480, v16;
	v21 =	vld.idx.msk [tilespmem:v31+s11+$0x0], $0xffff;
	[tilespmem:v7+s29+$0x400 ss:$0x1] =	vst.idx.msk $0xffff, v63  }
0xb5: {  	s1 =	simm.s32 $0x180;
	v23 =	vadd.s32 $0x700, v15;
	v20 =	vld.idx.msk [tilespmem:v32+s11+$0x0], $0xffff  }
.LBB2_3:
0xb6: {  	s15 =	sshra.s32 s1, $0x2;
	p0 =	sne.s32 s1, $0x1C0;
	s1 =	sadd.s32 $0x40, s1  }
0xb7: {  	v28 =	vld.idx.msk [tilespmem:v10+s15+$0x0 ss:$0x1], $0xffff;
	[tilespmem:v4+s2+$0xFFFFE800 ss:$0x1] =	vst.idx.msk $0xffff, v26;
	v26 =	vadd.s32 $0x980, v5  }
0xb8: {  	v27 =	vld.idx.msk [tilespmem:v27+s11+$0x0], $0xffff;
	[tilespmem:v4+s0+$0xFFFFF200 ss:$0x1] =	vst.idx.msk $0xffff, v24;
	v24 =	vadd.s32 $0xC00, v1  }
0xb9: {  	v25 =	vld.idx.msk [tilespmem:v25+s11+$0x0], $0xffff;
	[tilespmem:v4+s31+$0xFFFFFC00 ss:$0x1] =	vst.idx.msk $0xffff, v22;
	v22 =	vadd.s32 $0xE00, v0  }
0xba: {  	v23 =	vld.idx.msk [tilespmem:v23+s11+$0x0], $0xffff;
	[tilespmem:v7+s30+$0xFFFFFC00 ss:$0x1] =	vst.idx.msk $0xffff, v21  }
0xbb: {  	v29 =	vadd.s32 $0x280, v18;
	v21 =	vld.idx.msk [tilespmem:v11+s15+$0x0 ss:$0x1], $0xffff;
	[tilespmem:v7+s29+$0x600 ss:$0x1] =	vst.idx.msk $0xffff, v20  }
0xbc: {  	v20 =	vadd.s32 $0x500, v16;
	v26 =	vld.idx.msk [tilespmem:v26+s11+$0x0], $0xffff  }
0xbd: {  	v30 =	vadd.s32 $0x780, v15;
	v15 =	vmovc v16;
	v16 =	vmov v18;
	v18 =	vmov v28;
	v24 =	vld.idx.msk [tilespmem:v24+s11+$0x0], $0xffff;
	[tilespmem:v9+s28+$0xFFFFFC00 ss:$0x1] =	vst.idx.msk $0xffff, v19  }
0xbe: {  	v19 =	vadd.s32 $0xA00, v5;
	[tilespmem:v4+s2+$0xFFFFEA00 ss:$0x1] =	vst.idx.msk $0xffff, v27;
	v22 =	vld.idx.msk [tilespmem:v22+s11+$0x0], $0xffff  }
0xbf: {  	v27 =	vld.idx.msk [tilespmem:v28+s11+$0x0], $0xffff;
	[tilespmem:v4+s0+$0xFFFFF400 ss:$0x1] =	vst.idx.msk $0xffff, v25  }
0xc0: {  	v25 =	vld.idx.msk [tilespmem:v29+s11+$0x0], $0xffff;
	[tilespmem:v4+s31+$0xFFFFFE00 ss:$0x1] =	vst.idx.msk $0xffff, v23;
	v23 =	vadd.s32 $0xC80, v1  }
0xc1: {  	v28 =	vadd.s32 $0x80, v18;
	v20 =	vld.idx.msk [tilespmem:v20+s11+$0x0], $0xffff  }
0xc2: {  	v29 =	vadd.s32 $0x300, v16;
	v30 =	vld.idx.msk [tilespmem:v30+s11+$0x0], $0xffff;
	[tilespmem:v7+s30+$0xFFFFFE00 ss:$0x1] =	vst.idx.msk $0xffff, v26  }
0xc3: {  	v26 =	vadd.s32 $0x580, v15;
	v19 =	vld.idx.msk [tilespmem:v19+s11+$0x0], $0xffff;
	[tilespmem:v9+s29+$0xFFFFF600 ss:$0x1] =	vst.idx.msk $0xffff, v24  }
0xc4: {  	v31 =	vadd.s32 $0x800, v8;
	v24 =	vld.idx.msk [tilespmem:v12+s15+$0x0 ss:$0x1], $0xffff;
	[tilespmem:v9+s28+$0xFFFFFE00 ss:$0x1] =	vst.idx.msk $0xffff, v22  }
0xc5: {  	v22 =	vadd.s32 $0xA80, v5;
	[tilespmem:v4+s15+$0xFFFFE200 ss:$0x1] =	vst.idx.msk $0xffff, v27;
	v23 =	vld.idx.msk [tilespmem:v23+s11+$0x0], $0xffff  }
0xc6: {  	v27 =	vld.idx.msk [tilespmem:v28+s11+$0x0], $0xffff;
	[tilespmem:v4+s2+$0xFFFFEC00 ss:$0x1] =	vst.idx.msk $0xffff, v25;
	v25 =	vadd.s32 $0xE80, v0;
	v0 =	vmovc v1;
	v1 =	vmov v2;
	v2 =	vmov v3  }
0xc7: {  	v3 =	vmovc v6;
	v6 =	vmov v13;
	v13 =	vmov v21;
	v28 =	vld.idx.msk [tilespmem:v29+s11+$0x0], $0xffff;
	[tilespmem:v4+s0+$0xFFFFF600 ss:$0x1] =	vst.idx.msk $0xffff, v20;
	v20 =	vadd.s32 $0xD00, v0  }
0xc8: {  	v21 =	vadd.s32 $0x100, v18;
	v26 =	vld.idx.msk [tilespmem:v26+s11+$0x0], $0xffff;
	[tilespmem:v4+s31+$0x0 ss:$0x1] =	vst.idx.msk $0xffff, v30  }
0xc9: {  	v29 =	vadd.s32 $0x380, v16;
	v30 =	vld.idx.msk [tilespmem:v31+s11+$0x0], $0xffff;
	[tilespmem:v7+s30+$0x0 ss:$0x1] =	vst.idx.msk $0xffff, v19  }
0xca: {  	v19 =	vadd.s32 $0x600, v15;
	v22 =	vld.idx.msk [tilespmem:v22+s11+$0x0], $0xffff  }
0xcb: {  	v31 =	vadd.s32 $0x880, v8;
	[tilespmem:v9+s29+$0xFFFFF800 ss:$0x1] =	vst.idx.msk $0xffff, v23;
	v23 =	vld.idx.msk [tilespmem:v25+s11+$0x0], $0xffff  }
0xcc: {  	v25 =	vadd.s32 $0xB00, v5;
	[tilespmem:v4+s15+$0xFFFFE400 ss:$0x1] =	vst.idx.msk $0xffff, v27;
	v20 =	vld.idx.msk [tilespmem:v20+s11+$0x0], $0xffff  }
0xcd: {  	v21 =	vld.idx.msk [tilespmem:v21+s11+$0x0], $0xffff;
	[tilespmem:v4+s2+$0xFFFFEE00 ss:$0x1] =	vst.idx.msk $0xffff, v28  }
0xce: {  	v27 =	vld.idx.msk [tilespmem:v29+s11+$0x0], $0xffff;
	[tilespmem:v4+s0+$0xFFFFF800 ss:$0x1] =	vst.idx.msk $0xffff, v26;
	v26 =	vadd.s32 $0xD80, v0  }
0xcf: {  	v28 =	vadd.s32 $0x180, v18;
	v29 =	vld.idx.msk [tilespmem:v19+s11+$0x0], $0xffff;
	[tilespmem:v7+s31+$0xFFFFF800 ss:$0x1] =	vst.idx.msk $0xffff, v30  }
0xd0: {  	v30 =	vadd.s32 $0x400, v16;
	v31 =	vld.idx.msk [tilespmem:v31+s11+$0x0], $0xffff;
	[tilespmem:v7+s30+$0x200 ss:$0x1] =	vst.idx.msk $0xffff, v22  }
0xd1: {  	v22 =	vadd.s32 $0x680, v15;
	v32 =	vld.idx.msk [tilespmem:v25+s11+$0x0], $0xffff;
	[tilespmem:v9+s28+$0x0 ss:$0x1] =	vst.idx.msk $0xffff, v23;
	s28 =	smov.u32 s29;
	s29 =	smov.u32 s30;
	s30 =	smov.u32 s31  }
0xd2: {  	v23 =	vadd.s32 $0x900, v8;
	s31 =	smov.u32 s0;
	s0 =	smov.u32 s2;
	s2 =	smov.u32 s15;
	[tilespmem:v9+s28+$0xFFFFFA00 ss:$0x1] =	vst.idx.msk $0xffff, v20  }
0xd3: {  	v20 =	vadd.s32 $0xB80, v5;
	v5 =	vmovc v8;
	v8 =	vmov v14;
	v14 =	vmov v17;
	[tilespmem:v4+s2+$0xFFFFE600 ss:$0x1] =	vst.idx.msk $0xffff, v21;
	v19 =	vld.idx.msk [tilespmem:v26+s11+$0x0], $0xffff  }
.Ltmp0:
0xd4: {  	v17 =	vmov v24;
	v26 =	vld.idx.msk [tilespmem:v28+s11+$0x0], $0xffff;
	[tilespmem:v4+s0+$0xFFFFF000 ss:$0x1] =	vst.idx.msk $0xffff, v27;
	(pc) =	sbr.rel @p0 .LBB2_3-.Ltmp0, $4  }
0xd5: {  	v24 =	vld.idx.msk [tilespmem:v30+s11+$0x0], $0xffff;
	[tilespmem:v4+s31+$0xFFFFFA00 ss:$0x1] =	vst.idx.msk $0xffff, v29  }
0xd6: {  	v27 =	vadd.s32 $0x200, v18;
	v22 =	vld.idx.msk [tilespmem:v22+s11+$0x0], $0xffff;
	[tilespmem:v7+s30+$0xFFFFFA00 ss:$0x1] =	vst.idx.msk $0xffff, v31  }
0xd7: {  	v25 =	vadd.s32 $0x480, v16;
	v21 =	vld.idx.msk [tilespmem:v23+s11+$0x0], $0xffff;
	[tilespmem:v7+s29+$0x400 ss:$0x1] =	vst.idx.msk $0xffff, v32  }
0xd8: {  	v23 =	vadd.s32 $0x700, v15;
	v20 =	vld.idx.msk [tilespmem:v20+s11+$0x0], $0xffff  }
0xd9: {  	_ =	sdelay $0x3  }
0xda: {  	[tilespmem:v4+s2+$0xFFFFE800 ss:$0x1] =	vst.idx.msk $0xffff, v26  }
0xdb: {  	v10 =	vld.idx.msk [tilespmem:v27+s11+$0x0], $0xffff  }
0xdc: {  	v11 =	vadd.s32 $0x280, v18;
	_ =	sdelay $0x3  }
0xdd: {  	[tilespmem:v4+s2+$0xFFFFEA00 ss:$0x1] =	vst.idx.msk $0xffff, v10  }
0xde: {  	v10 =	vld.idx.msk [tilespmem:v11+s11+$0x0], $0xffff  }
0xdf: {  	v54 =	vadd.s32 $0x300, v18;
	_ =	sdelay $0x3  }
0xe0: {  	[tilespmem:v4+s2+$0xFFFFEC00 ss:$0x1] =	vst.idx.msk $0xffff, v10  }
0xe1: {  	v10 =	vld.idx.msk [tilespmem:v54+s11+$0x0], $0xffff  }
0xe2: {  	v55 =	vadd.s32 $0x380, v18;
	_ =	sdelay $0x3  }
0xe3: {  	[tilespmem:v4+s2+$0xFFFFEE00 ss:$0x1] =	vst.idx.msk $0xffff, v10  }
0xe4: {  	v10 =	vld.idx.msk [tilespmem:v55+s11+$0x0], $0xffff  }
0xe5: {  	v56 =	vadd.s32 $0x400, v18;
	_ =	sdelay $0x3  }
0xe6: {  	[tilespmem:v4+s2+$0xFFFFF000 ss:$0x1] =	vst.idx.msk $0xffff, v10  }
0xe7: {  	v10 =	vld.idx.msk [tilespmem:v56+s11+$0x0], $0xffff  }
0xe8: {  	v57 =	vadd.s32 $0x480, v18;
	_ =	sdelay $0x2  }
0xe9: {  	[tilespmem:v4+s0+$0xFFFFF200 ss:$0x1] =	vst.idx.msk $0xffff, v24  }
0xea: {  	v12 =	vld.idx.msk [tilespmem:v25+s11+$0x0], $0xffff;
	[tilespmem:v4+s2+$0xFFFFF200 ss:$0x1] =	vst.idx.msk $0xffff, v10  }
0xeb: {  	v58 =	vadd.s32 $0x500, v16;
	v11 =	vld.idx.msk [tilespmem:v57+s11+$0x0], $0xffff  }
0xec: {  	v59 =	vadd.s32 $0x500, v18;
	_ =	sdelay $0x2  }
0xed: {  	[tilespmem:v4+s0+$0xFFFFF400 ss:$0x1] =	vst.idx.msk $0xffff, v12  }
0xee: {  	v10 =	vld.idx.msk [tilespmem:v58+s11+$0x0], $0xffff;
	[tilespmem:v4+s2+$0xFFFFF400 ss:$0x1] =	vst.idx.msk $0xffff, v11  }
0xef: {  	v60 =	vadd.s32 $0x580, v16;
	v61 =	vld.idx.msk [tilespmem:v59+s11+$0x0], $0xffff  }
0xf0: {  	v62 =	vadd.s32 $0x580, v18;
	_ =	sdelay $0x2  }
0xf1: {  	[tilespmem:v4+s0+$0xFFFFF600 ss:$0x1] =	vst.idx.msk $0xffff, v10  }
0xf2: {  	v10 =	vld.idx.msk [tilespmem:v60+s11+$0x0], $0xffff;
	[tilespmem:v4+s2+$0xFFFFF600 ss:$0x1] =	vst.idx.msk $0xffff, v61  }
0xf3: {  	v63 =	vadd.s32 $0x600, v16;
	v12 =	vld.idx.msk [tilespmem:v62+s11+$0x0], $0xffff  }
0xf4: {  	v28 =	vadd.s32 $0x600, v18;
	_ =	sdelay $0x2  }
0xf5: {  	[tilespmem:v4+s0+$0xFFFFF800 ss:$0x1] =	vst.idx.msk $0xffff, v10  }
0xf6: {  	v10 =	vld.idx.msk [tilespmem:v63+s11+$0x0], $0xffff;
	[tilespmem:v4+s2+$0xFFFFF800 ss:$0x1] =	vst.idx.msk $0xffff, v12  }
0xf7: {  	v29 =	vadd.s32 $0x680, v16;
	v12 =	vld.idx.msk [tilespmem:v28+s11+$0x0], $0xffff  }
0xf8: {  	v30 =	vadd.s32 $0x680, v18;
	_ =	sdelay $0x2  }
0xf9: {  	[tilespmem:v4+s0+$0xFFFFFA00 ss:$0x1] =	vst.idx.msk $0xffff, v10  }
0xfa: {  	v10 =	vld.idx.msk [tilespmem:v29+s11+$0x0], $0xffff;
	[tilespmem:v4+s2+$0xFFFFFA00 ss:$0x1] =	vst.idx.msk $0xffff, v12  }
0xfb: {  	v31 =	vadd.s32 $0x700, v16;
	v12 =	vld.idx.msk [tilespmem:v30+s11+$0x0], $0xffff  }
0xfc: {  	v32 =	vadd.s32 $0x700, v18;
	_ =	sdelay $0x1  }
0xfd: {  	[tilespmem:v4+s31+$0xFFFFFC00 ss:$0x1] =	vst.idx.msk $0xffff, v22  }
0xfe: {  	v22 =	vld.idx.msk [tilespmem:v23+s11+$0x0], $0xffff;
	[tilespmem:v4+s0+$0xFFFFFC00 ss:$0x1] =	vst.idx.msk $0xffff, v10  }
0xff: {  	v33 =	vadd.s32 $0x780, v15;
	v11 =	vld.idx.msk [tilespmem:v31+s11+$0x0], $0xffff;
	[tilespmem:v4+s2+$0xFFFFFC00 ss:$0x1] =	vst.idx.msk $0xffff, v12  }
0x100: {  	v34 =	vadd.s32 $0x780, v16;
	v35 =	vld.idx.msk [tilespmem:v32+s11+$0x0], $0xffff  }
0x101: {  	v36 =	vadd.s32 $0x780, v18;
	_ =	sdelay $0x1  }
0x102: {  	[tilespmem:v4+s31+$0xFFFFFE00 ss:$0x1] =	vst.idx.msk $0xffff, v22  }
0x103: {  	v10 =	vld.idx.msk [tilespmem:v33+s11+$0x0], $0xffff;
	[tilespmem:v4+s0+$0xFFFFFE00 ss:$0x1] =	vst.idx.msk $0xffff, v11  }
0x104: {  	v37 =	vadd.s32 $0x800, v8;
	v12 =	vld.idx.msk [tilespmem:v34+s11+$0x0], $0xffff;
	[tilespmem:v4+s2+$0xFFFFFE00 ss:$0x1] =	vst.idx.msk $0xffff, v35  }
0x105: {  	v38 =	vadd.s32 $0x800, v14;
	v16 =	vld.idx.msk [tilespmem:v36+s11+$0x0], $0xffff  }
0x106: {  	v39 =	vadd.s32 $0x800, v17;
	_ =	sdelay $0x1  }
0x107: {  	[tilespmem:v4+s31+$0x0 ss:$0x1] =	vst.idx.msk $0xffff, v10  }
0x108: {  	v10 =	vld.idx.msk [tilespmem:v37+s11+$0x0], $0xffff;
	[tilespmem:v4+s0+$0x0 ss:$0x1] =	vst.idx.msk $0xffff, v12  }
0x109: {  	v40 =	vadd.s32 $0x880, v8;
	v12 =	vld.idx.msk [tilespmem:v38+s11+$0x0], $0xffff;
	[tilespmem:v4+s2+$0x0 ss:$0x1] =	vst.idx.msk $0xffff, v16  }
0x10a: {  	v41 =	vadd.s32 $0x880, v14;
	v42 =	vld.idx.msk [tilespmem:v39+s11+$0x0], $0xffff  }
0x10b: {  	v43 =	vadd.s32 $0x880, v17;
	_ =	sdelay $0x1  }
0x10c: {  	[tilespmem:v7+s31+$0xFFFFF800 ss:$0x1] =	vst.idx.msk $0xffff, v10  }
0x10d: {  	v10 =	vld.idx.msk [tilespmem:v40+s11+$0x0], $0xffff;
	[tilespmem:v7+s0+$0xFFFFF800 ss:$0x1] =	vst.idx.msk $0xffff, v12  }
0x10e: {  	v44 =	vadd.s32 $0x900, v8;
	v4 =	vld.idx.msk [tilespmem:v41+s11+$0x0], $0xffff;
	[tilespmem:v7+s2+$0xFFFFF800 ss:$0x1] =	vst.idx.msk $0xffff, v42  }
0x10f: {  	v45 =	vadd.s32 $0x900, v14;
	v15 =	vld.idx.msk [tilespmem:v43+s11+$0x0], $0xffff  }
0x110: {  	v46 =	vadd.s32 $0x900, v17;
	_ =	sdelay $0x1  }
0x111: {  	[tilespmem:v7+s31+$0xFFFFFA00 ss:$0x1] =	vst.idx.msk $0xffff, v10  }
0x112: {  	v47 =	vadd.s32 $0x980, v5;
	v11 =	vld.idx.msk [tilespmem:v44+s11+$0x0], $0xffff;
	[tilespmem:v7+s0+$0xFFFFFA00 ss:$0x1] =	vst.idx.msk $0xffff, v4  }
0x113: {  	v48 =	vadd.s32 $0x980, v8;
	v12 =	vld.idx.msk [tilespmem:v45+s11+$0x0], $0xffff;
	[tilespmem:v7+s2+$0xFFFFFA00 ss:$0x1] =	vst.idx.msk $0xffff, v15  }
0x114: {  	v49 =	vadd.s32 $0x980, v14;
	v16 =	vld.idx.msk [tilespmem:v46+s11+$0x0], $0xffff  }
0x115: {  	v50 =	vadd.s32 $0x980, v17  }
0x116: {  	[tilespmem:v7+s30+$0xFFFFFC00 ss:$0x1] =	vst.idx.msk $0xffff, v21  }
0x117: {  	v10 =	vld.idx.msk [tilespmem:v47+s11+$0x0], $0xffff;
	[tilespmem:v7+s31+$0xFFFFFC00 ss:$0x1] =	vst.idx.msk $0xffff, v11  }
0x118: {  	v51 =	vadd.s32 $0xA00, v5;
	v4 =	vld.idx.msk [tilespmem:v48+s11+$0x0], $0xffff;
	[tilespmem:v7+s0+$0xFFFFFC00 ss:$0x1] =	vst.idx.msk $0xffff, v12  }
0x119: {  	v52 =	vadd.s32 $0xA00, v8;
	v15 =	vld.idx.msk [tilespmem:v49+s11+$0x0], $0xffff;
	[tilespmem:v7+s2+$0xFFFFFC00 ss:$0x1] =	vst.idx.msk $0xffff, v16  }
0x11a: {  	v53 =	vadd.s32 $0xA00, v14;
	v18 =	vld.idx.msk [tilespmem:v50+s11+$0x0], $0xffff  }
0x11b: {  	v54 =	vadd.s32 $0xA00, v17  }
0x11c: {  	[tilespmem:v7+s30+$0xFFFFFE00 ss:$0x1] =	vst.idx.msk $0xffff, v10  }
0x11d: {  	v10 =	vld.idx.msk [tilespmem:v51+s11+$0x0], $0xffff;
	[tilespmem:v7+s31+$0xFFFFFE00 ss:$0x1] =	vst.idx.msk $0xffff, v4  }
0x11e: {  	v55 =	vadd.s32 $0xA80, v5;
	v56 =	vld.idx.msk [tilespmem:v52+s11+$0x0], $0xffff;
	[tilespmem:v7+s0+$0xFFFFFE00 ss:$0x1] =	vst.idx.msk $0xffff, v15  }
0x11f: {  	v57 =	vadd.s32 $0xA80, v8;
	v15 =	vld.idx.msk [tilespmem:v53+s11+$0x0], $0xffff;
	[tilespmem:v7+s2+$0xFFFFFE00 ss:$0x1] =	vst.idx.msk $0xffff, v18  }
0x120: {  	v58 =	vadd.s32 $0xA80, v14;
	v18 =	vld.idx.msk [tilespmem:v54+s11+$0x0], $0xffff  }
0x121: {  	v59 =	vadd.s32 $0xA80, v17  }
0x122: {  	[tilespmem:v7+s30+$0x0 ss:$0x1] =	vst.idx.msk $0xffff, v10  }
0x123: {  	v4 =	vld.idx.msk [tilespmem:v55+s11+$0x0], $0xffff;
	[tilespmem:v7+s31+$0x0 ss:$0x1] =	vst.idx.msk $0xffff, v56  }
0x124: {  	v60 =	vadd.s32 $0xB00, v5;
	v11 =	vld.idx.msk [tilespmem:v57+s11+$0x0], $0xffff;
	[tilespmem:v7+s0+$0x0 ss:$0x1] =	vst.idx.msk $0xffff, v15  }
0x125: {  	v61 =	vadd.s32 $0xB00, v8;
	v15 =	vld.idx.msk [tilespmem:v58+s11+$0x0], $0xffff;
	[tilespmem:v7+s2+$0x0 ss:$0x1] =	vst.idx.msk $0xffff, v18  }
0x126: {  	v62 =	vadd.s32 $0xB00, v14;
	v18 =	vld.idx.msk [tilespmem:v59+s11+$0x0], $0xffff  }
0x127: {  	v63 =	vadd.s32 $0xB00, v17  }
0x128: {  	[tilespmem:v7+s30+$0x200 ss:$0x1] =	vst.idx.msk $0xffff, v4  }
0x129: {  	v4 =	vld.idx.msk [tilespmem:v60+s11+$0x0], $0xffff;
	[tilespmem:v7+s31+$0x200 ss:$0x1] =	vst.idx.msk $0xffff, v11  }
0x12a: {  	v23 =	vadd.s32 $0xB80, v5;
	v24 =	vld.idx.msk [tilespmem:v61+s11+$0x0], $0xffff;
	[tilespmem:v7+s0+$0x200 ss:$0x1] =	vst.idx.msk $0xffff, v15  }
0x12b: {  	v25 =	vadd.s32 $0xB80, v8;
	v26 =	vld.idx.msk [tilespmem:v62+s11+$0x0], $0xffff;
	[tilespmem:v7+s2+$0x200 ss:$0x1] =	vst.idx.msk $0xffff, v18  }
0x12c: {  	v27 =	vadd.s32 $0xB80, v14;
	v28 =	vld.idx.msk [tilespmem:v63+s11+$0x0], $0xffff  }
0x12d: {  	v29 =	vadd.s32 $0xB80, v17  }
0x12e: {  	[tilespmem:v7+s30+$0x400 ss:$0x1] =	vst.idx.msk $0xffff, v4  }
0x12f: {  	v30 =	vadd.s32 $0xC00, v1;
	v5 =	vld.idx.msk [tilespmem:v23+s11+$0x0], $0xffff;
	[tilespmem:v7+s31+$0x400 ss:$0x1] =	vst.idx.msk $0xffff, v24  }
0x130: {  	v31 =	vadd.s32 $0xC00, v2;
	v8 =	vld.idx.msk [tilespmem:v25+s11+$0x0], $0xffff;
	[tilespmem:v7+s0+$0x400 ss:$0x1] =	vst.idx.msk $0xffff, v26  }
0x131: {  	v32 =	vadd.s32 $0xC00, v3;
	v12 =	vld.idx.msk [tilespmem:v27+s11+$0x0], $0xffff;
	[tilespmem:v7+s2+$0x400 ss:$0x1] =	vst.idx.msk $0xffff, v28  }
0x132: {  	v33 =	vadd.s32 $0xC00, v6;
	v15 =	vld.idx.msk [tilespmem:v29+s11+$0x0], $0xffff  }
0x133: {  	[tilespmem:v7+s29+$0x600 ss:$0x1] =	vst.idx.msk $0xffff, v20;
	v34 =	vadd.s32 $0xC00, v13  }
0x134: {  	v4 =	vld.idx.msk [tilespmem:v30+s11+$0x0], $0xffff;
	[tilespmem:v7+s30+$0x600 ss:$0x1] =	vst.idx.msk $0xffff, v5  }
0x135: {  	v35 =	vadd.s32 $0xC80, v1;
	v10 =	vld.idx.msk [tilespmem:v31+s11+$0x0], $0xffff;
	[tilespmem:v7+s31+$0x600 ss:$0x1] =	vst.idx.msk $0xffff, v8  }
0x136: {  	v36 =	vadd.s32 $0xC80, v2;
	v11 =	vld.idx.msk [tilespmem:v32+s11+$0x0], $0xffff;
	[tilespmem:v7+s0+$0x600 ss:$0x1] =	vst.idx.msk $0xffff, v12  }
0x137: {  	v37 =	vadd.s32 $0xC80, v3;
	v14 =	vld.idx.msk [tilespmem:v33+s11+$0x0], $0xffff;
	[tilespmem:v7+s2+$0x600 ss:$0x1] =	vst.idx.msk $0xffff, v15  }
0x138: {  	v38 =	vadd.s32 $0xC80, v6;
	v15 =	vld.idx.msk [tilespmem:v34+s11+$0x0], $0xffff  }
0x139: {  	v39 =	vadd.s32 $0xC80, v13;
	[tilespmem:v9+s29+$0xFFFFF600 ss:$0x1] =	vst.idx.msk $0xffff, v4  }
0x13a: {  	v5 =	vld.idx.msk [tilespmem:v35+s11+$0x0], $0xffff;
	[tilespmem:v9+s30+$0xFFFFF600 ss:$0x1] =	vst.idx.msk $0xffff, v10  }
0x13b: {  	v40 =	vadd.s32 $0xD00, v1;
	v8 =	vld.idx.msk [tilespmem:v36+s11+$0x0], $0xffff;
	[tilespmem:v9+s31+$0xFFFFF600 ss:$0x1] =	vst.idx.msk $0xffff, v11  }
0x13c: {  	v41 =	vadd.s32 $0xD00, v2;
	v12 =	vld.idx.msk [tilespmem:v37+s11+$0x0], $0xffff;
	[tilespmem:v9+s0+$0xFFFFF600 ss:$0x1] =	vst.idx.msk $0xffff, v14  }
0x13d: {  	v42 =	vadd.s32 $0xD00, v3;
	v7 =	vld.idx.msk [tilespmem:v38+s11+$0x0], $0xffff;
	[tilespmem:v9+s2+$0xFFFFF600 ss:$0x1] =	vst.idx.msk $0xffff, v15  }
0x13e: {  	v43 =	vadd.s32 $0xD00, v6;
	v4 =	vld.idx.msk [tilespmem:v39+s11+$0x0], $0xffff  }
0x13f: {  	v44 =	vadd.s32 $0xD00, v13;
	[tilespmem:v9+s29+$0xFFFFF800 ss:$0x1] =	vst.idx.msk $0xffff, v5  }
0x140: {  	v10 =	vld.idx.msk [tilespmem:v40+s11+$0x0], $0xffff;
	[tilespmem:v9+s30+$0xFFFFF800 ss:$0x1] =	vst.idx.msk $0xffff, v8  }
0x141: {  	v45 =	vadd.s32 $0xD80, v1;
	v11 =	vld.idx.msk [tilespmem:v41+s11+$0x0], $0xffff;
	[tilespmem:v9+s31+$0xFFFFF800 ss:$0x1] =	vst.idx.msk $0xffff, v12  }
0x142: {  	v46 =	vadd.s32 $0xD80, v2;
	v14 =	vld.idx.msk [tilespmem:v42+s11+$0x0], $0xffff;
	[tilespmem:v9+s0+$0xFFFFF800 ss:$0x1] =	vst.idx.msk $0xffff, v7  }
0x143: {  	v47 =	vadd.s32 $0xD80, v3;
	v15 =	vld.idx.msk [tilespmem:v43+s11+$0x0], $0xffff;
	[tilespmem:v9+s2+$0xFFFFF800 ss:$0x1] =	vst.idx.msk $0xffff, v4  }
0x144: {  	v48 =	vadd.s32 $0xD80, v6;
	v5 =	vld.idx.msk [tilespmem:v44+s11+$0x0], $0xffff  }
0x145: {  	v49 =	vadd.s32 $0xD80, v13;
	[tilespmem:v9+s29+$0xFFFFFA00 ss:$0x1] =	vst.idx.msk $0xffff, v10  }
0x146: {  	v50 =	vadd.s32 $0xE00, v0;
	v8 =	vld.idx.msk [tilespmem:v45+s11+$0x0], $0xffff;
	[tilespmem:v9+s30+$0xFFFFFA00 ss:$0x1] =	vst.idx.msk $0xffff, v11  }
0x147: {  	v51 =	vadd.s32 $0xE00, v1;
	v12 =	vld.idx.msk [tilespmem:v46+s11+$0x0], $0xffff;
	[tilespmem:v9+s31+$0xFFFFFA00 ss:$0x1] =	vst.idx.msk $0xffff, v14  }
0x148: {  	v52 =	vadd.s32 $0xE00, v2;
	v7 =	vld.idx.msk [tilespmem:v47+s11+$0x0], $0xffff;
	[tilespmem:v9+s0+$0xFFFFFA00 ss:$0x1] =	vst.idx.msk $0xffff, v15  }
0x149: {  	v53 =	vadd.s32 $0xE00, v3;
	v4 =	vld.idx.msk [tilespmem:v48+s11+$0x0], $0xffff;
	[tilespmem:v9+s2+$0xFFFFFA00 ss:$0x1] =	vst.idx.msk $0xffff, v5  }
0x14a: {  	[tilespmem:v9+s28+$0xFFFFFC00 ss:$0x1] =	vst.idx.msk $0xffff, v19;
	v54 =	vadd.s32 $0xE00, v6;
	v10 =	vld.idx.msk [tilespmem:v49+s11+$0x0], $0xffff  }
0x14b: {  	v55 =	vadd.s32 $0xE00, v13;
	v16 =	vld.idx.msk [tilespmem:v50+s11+$0x0], $0xffff;
	[tilespmem:v9+s29+$0xFFFFFC00 ss:$0x1] =	vst.idx.msk $0xffff, v8  }
0x14c: {  	v56 =	vadd.s32 $0xE80, v0;
	v11 =	vld.idx.msk [tilespmem:v51+s11+$0x0], $0xffff;
	[tilespmem:v9+s30+$0xFFFFFC00 ss:$0x1] =	vst.idx.msk $0xffff, v12  }
0x14d: {  	v57 =	vadd.s32 $0xE80, v1;
	v12 =	vld.idx.msk [tilespmem:v52+s11+$0x0], $0xffff;
	[tilespmem:v9+s31+$0xFFFFFC00 ss:$0x1] =	vst.idx.msk $0xffff, v7  }
0x14e: {  	v58 =	vadd.s32 $0xE80, v2;
	v7 =	vld.idx.msk [tilespmem:v53+s11+$0x0], $0xffff;
	[tilespmem:v9+s0+$0xFFFFFC00 ss:$0x1] =	vst.idx.msk $0xffff, v4  }
0x14f: {  	v59 =	vadd.s32 $0xE80, v3;
	v4 =	vld.idx.msk [tilespmem:v54+s11+$0x0], $0xffff;
	[tilespmem:v9+s2+$0xFFFFFC00 ss:$0x1] =	vst.idx.msk $0xffff, v10  }
0x150: {  	v60 =	vadd.s32 $0xE80, v6;
	[tilespmem:v9+s28+$0xFFFFFE00 ss:$0x1] =	vst.idx.msk $0xffff, v16;
	v61 =	vld.idx.msk [tilespmem:v55+s11+$0x0], $0xffff  }
0x151: {  	v0 =	vld.idx.msk [tilespmem:v56+s11+$0x0], $0xffff;
	v62 =	vadd.s32 $0xE80, v13;
	[tilespmem:v9+s29+$0xFFFFFE00 ss:$0x1] =	vst.idx.msk $0xffff, v11  }
0x152: {  	v1 =	vld.idx.msk [tilespmem:v57+s11+$0x0], $0xffff;
	[tilespmem:v9+s30+$0xFFFFFE00 ss:$0x1] =	vst.idx.msk $0xffff, v12  }
0x153: {  	v2 =	vld.idx.msk [tilespmem:v58+s11+$0x0], $0xffff;
	[tilespmem:v9+s31+$0xFFFFFE00 ss:$0x1] =	vst.idx.msk $0xffff, v7  }
0x154: {  	v3 =	vld.idx.msk [tilespmem:v59+s11+$0x0], $0xffff;
	[tilespmem:v9+s0+$0xFFFFFE00 ss:$0x1] =	vst.idx.msk $0xffff, v4  }
0x155: {  	s26 =	sadd.s32 $0x1, s26;
	v4 =	vld.idx.msk [tilespmem:v60+s11+$0x0], $0xffff;
	[tilespmem:v9+s2+$0xFFFFFE00 ss:$0x1] =	vst.idx.msk $0xffff, v61  }
0x156: {  	p0 =	sne.s32 s26, $0x4;
	[tilespmem:v9+s28+$0x0 ss:$0x1] =	vst.idx.msk $0xffff, v0;
	v63 =	vld.idx.msk [tilespmem:v62+s11+$0x0], $0xffff  }
.Ltmp1:
0x157: {  	[tilespmem:v9+s29+$0x0 ss:$0x1] =	vst.idx.msk $0xffff, v1;
	(pc) =	sbr.rel @p0 .LBB2_2-.Ltmp1, $4  }
0x158: {  	[tilespmem:v9+s30+$0x0 ss:$0x1] =	vst.idx.msk $0xffff, v2  }
0x159: {  	[tilespmem:v9+s31+$0x0 ss:$0x1] =	vst.idx.msk $0xffff, v3  }
0x15a: {  	s25 =	sadd.s32 $0x80, s25;
	s24 =	sadd.s32 $0x80, s24;
	s20 =	sadd.s32 $0x80, s20;
	[tilespmem:v9+s0+$0x0 ss:$0x1] =	vst.idx.msk $0xffff, v4  }
0x15b: {  	s21 =	sadd.s32 $0x80, s21;
	s22 =	sadd.s32 $0x80, s22;
	s23 =	sadd.s32 $0x80, s23;
	[tilespmem:v9+s2+$0x0 ss:$0x1] =	vst.idx.msk $0xffff, v63  }
0x15c: {  	s0 =	simm.s32 $0x1600  }
0x15d: {  	[hbm4b:s7+s13] =	stream.strided.scatter [tilespmem:s0], [sflag:$0x2], $0x2000, s14, s13, $0x38;
	[tilespmem:$0x5600] =	vst v63  }
0x15e: {  	_ = 	snop  }
0x15f: {  	[hbm4b:s8+s13] =	stream.strided.scatter [tilespmem:s16], [sflag:$0x2], $0x1000, s14, s13, $0x38;
	[tilespmem:$0x5600] =	vst v63  }
0x160: {  	_ = 	snop  }
0x161: {  	[hbm4b:s9+s13] =	stream.strided.scatter [tilespmem:s17], [sflag:$0x2], $0x1000, s14, s13, $0x38;
	[tilespmem:$0x5600] =	vst v63  }
0x162: {  	_ =	swait.ge [sflag:s18], $0x2000  }
0x163: {  	[sflag:s18] =	ssyncset.done $0x0  }
0x164: {  	s19 =	sadd.s32 $0x1, s19;
	[sflag:s18] =	ssyncadd.s32 $0xFFFFE000  }
0x165: {  	p0 =	sne.s32 s19, s10;
	_ =	swait.ge [sflag:s18], $0x1000  }
.Ltmp2:
0x166: {  	[sflag:s18] =	ssyncset.done $0x0;
	(pc) =	sbr.rel @p0 .LBB2_1-.Ltmp2, $4  }
0x167: {  	[sflag:s18] =	ssyncadd.s32 $0xFFFFF000  }
0x168: {  	_ =	swait.ge [sflag:s18], $0x1000  }
0x169: {  	[sflag:s18] =	ssyncset.done $0x0  }
0x16a: {  	[sflag:s18] =	ssyncadd.s32 $0xFFFFF000  }
0x16b: {  	_ =	sfence.sel $0x180000  }
0x16c: {  	[bflag:$0x0] =	sbarrier.arrive $0xFFFF  }
0x16d: {  	_ =	strace $0x90000047  }
0x16e: {  	s0 =	stileid.u32;
	[bflag:$0x2] =	sbarrier.arrive $0xFFFF  }
0x16f: {  	p0 =	sne.s32 s0, $0x0;
	s0 =	rddreg [dreg:$0x4]  }
0x170: {  	s0 =	sadd.s32 @!p0 $0x100000, s0  }
0x171: {  	[sflag:s0] =	ssyncadd.tile.s32 @!p0 $0x1;
	_ =	shalt  }
.Lfunc_end2:
_tile_overlayer_lowered:
.L_overlay_start_2:
0x172: {  	(tag) =	ssettag $0x2  }
0x173: {  	s0 =	rddreg [dreg:$0x0];
	s2 =	stileid.u32  }
0x174: {  	s1 =	rddreg [dreg:$0x1];
	p0 =	sne.s32 s2, $0x0  }
0x175: {  	s3 =	rddreg [dreg:$0x2];
	[bflag:$0x3] =	sbarrier.arrive $0xFFFF;
	s2 =	simm.s32 @!p0 $0x1C03  }
0x176: {  	[timem:s3], [sflag:s2] =	dma.local @!p0 [hbm:s0], s1  }
0x177: {  	s0 =	simm.s32 @!p0 $0x3  }
0x178: {  	_ =	swait.ge @!p0 [sflag:s0], s1  }
0x179: {  	s1 =	ssub.s32 @!p0 $0x0, s1;
	[sflag:s0] =	ssyncset.done @!p0 $0x0  }
0x17a: {  	[sflag:s0] =	ssyncadd.s32 @!p0 s1  }
0x17b: {  	[bflag:$0x3] =	sbarrier.arrive $0xFFFF  }
0x17c: {  	_ =	shalt  }

</sc_bundles>
